<compile_context>
chip_gen: v7x
topology: tpu7x:2x2x1
jax: 0.10.2.dev20260603
libtpu: 0.0.44.dev20260713+nightly
codegen_flags: <defaults>
</compile_context>

<pallas_src>
import functools
import jax
import jax.numpy as jnp
from jax import lax
from jax.experimental import pallas as pl
from jax.experimental.pallas import tpu as pltpu
from jax.experimental.pallas import tpu_sc as plsc

MAXP = 24
DM = 384
NPTS = 576
DHALF = DM // 2
NROWS = NPTS * NPTS * 2

NC = 2
NS = 16
NW = NC * NS
L = 16

I_PER_W = NPTS // NW
ROWS_PER_I = NPTS * 2
ROWS_PER_W = I_PER_W * ROWS_PER_I
CHUNK = 128
NCHUNK = ROWS_PER_W // CHUNK
NBUF = 3
JG = NPTS // L


def _body(pos_hbm, w_hbm, out_hbm, pos_v, idx_v, rows_v, *sems):
    sem_g = sems[:NBUF]
    sem_w = sems[NBUF:]
    wid = lax.axis_index("s") * NC + lax.axis_index("c")

    pltpu.sync_copy(pos_hbm, pos_v)

    iota = lax.iota(jnp.int32, L)

    def i_body(il, _):
        i = wid * I_PER_W + il
        ivx = jnp.full((L,), 2 * i, jnp.int32)
        pxi = plsc.load_gather(pos_v, [ivx])
        pyi = plsc.load_gather(pos_v, [ivx + 1])

        def j_body(jg, _):
            jv2 = 2 * (jg * L + iota)
            pxj = plsc.load_gather(pos_v, [jv2])
            pyj = plsc.load_gather(pos_v, [jv2 + 1])
            ix = jnp.clip(pxi - pxj, -MAXP, MAXP) + MAXP
            iy = jnp.clip(pyi - pyj, -MAXP, MAXP) + MAXP
            addr = il * ROWS_PER_I + jg * (2 * L) + 2 * iota
            plsc.store_scatter(idx_v, [addr], ix)
            plsc.store_scatter(idx_v, [addr + 1], iy)
            return 0

        lax.fori_loop(0, JG, j_body, 0)
        return 0

    lax.fori_loop(0, I_PER_W, i_body, 0)

    out_base = wid * ROWS_PER_W

    def start_gather(c, b):
        pltpu.async_copy(
            w_hbm.at[idx_v.at[pl.ds(c * CHUNK, CHUNK)]],
            rows_v.at[b],
            sem_g[b],
        )

    for b in range(NBUF):
        start_gather(b, b)

    def g_body(g, _):
        for b in range(NBUF):
            c = g * NBUF + b
            pltpu.make_async_copy(
                w_hbm.at[idx_v.at[pl.ds(c * CHUNK, CHUNK)]],
                rows_v.at[b],
                sem_g[b],
            ).wait()
            out_sl = out_hbm.at[pl.ds(out_base + c * CHUNK, CHUNK)]
            pltpu.async_copy(rows_v.at[b], out_sl, sem_w[b])

            @pl.when(c + NBUF < NCHUNK)
            def _():
                pltpu.make_async_copy(rows_v.at[b], out_sl, sem_w[b]).wait()
                start_gather(c + NBUF, b)

        return 0

    lax.fori_loop(0, NCHUNK // NBUF, g_body, 0)

    for b in range(NBUF):
        c = NCHUNK - NBUF + b
        pltpu.make_async_copy(
            rows_v.at[b],
            out_hbm.at[pl.ds(out_base + c * CHUNK, CHUNK)],
            sem_w[b],
        ).wait()


@jax.jit
def _run(positions, W):
    mesh = plsc.VectorSubcoreMesh(core_axis_name="c", subcore_axis_name="s")
    k = functools.partial(
        pl.kernel,
        mesh=mesh,
        compiler_params=pltpu.CompilerParams(
            needs_layout_passes=False, use_tc_tiling_on_sc=False
        ),
        out_type=jax.ShapeDtypeStruct((NROWS, DHALF), jnp.float32),
        scratch_types=[
            pltpu.VMEM((NPTS * 2,), jnp.int32),
            pltpu.VMEM((ROWS_PER_W,), jnp.int32),
            pltpu.VMEM((NBUF, CHUNK, DHALF), jnp.float32),
        ] + [pltpu.SemaphoreType.DMA] * (2 * NBUF),
    )(_body)
    return k(positions, W)


def kernel(positions, W):
    out = _run(positions.astype(jnp.int32).reshape(-1), W)
    return out.reshape(NPTS, NPTS, DM)

# --- scband reference (transcript-rebuilt; emitter-appended) ---
"""Pipeline reference for scband-relative-positional-embedding-29197187678832 (READ-ONLY COPY).

The authoritative reference and input builder live on the scoring server;
editing this copy changes nothing except your own understanding.
"""

import jax, jax.numpy as jnp
import numpy as np

MAX_POSITION = 24
D_MODEL = 384
N = 576

def setup_inputs(seed: int = 0) -> dict:
    key = jax.random.key(seed)
    k1, k2 = jax.random.split(key)
    positions = jax.random.randint(k1, (N, 2), 0, MAX_POSITION).astype(jnp.int64) if jax.config.jax_enable_x64 else jax.random.randint(k1, (N, 2), 0, MAX_POSITION).astype(jnp.int32)
    # embedding table: (2*max_position + 1, d_model // 2)
    W = jax.random.normal(k2, (2 * MAX_POSITION + 1, D_MODEL // 2), dtype=jnp.float32)
    return {"positions": positions, "W": W}

def reference(positions, W):
    # relative positions: [N, N, 2]
    relative_positions = positions[:, None, :] - positions[None, :, :]
    clipped = jnp.clip(relative_positions, -MAX_POSITION, MAX_POSITION)
    shifted = clipped + MAX_POSITION
    emb_x = jnp.take(W, shifted[:, :, 0], axis=0)
    emb_y = jnp.take(W, shifted[:, :, 1], axis=0)
    return jnp.concatenate([emb_x, emb_y], axis=-1)

if __name__ == "__main__":
    import jax
    _d = setup_inputs()
    print(jax.jit(kernel)(*tuple(_d.values())))

</pallas_src>

<mosaic_0001>
#map = affine_map<(d0, d1) -> (0)>
#map1 = affine_map<(d0, d1) -> (0, 0)>
module attributes {stable_mosaic.version = 14 : i64} {
  func.func @_body(%arg0: i32, %arg1: i32, %arg2: memref<1152xi32, #tpu.memory_space<hbm>>, %arg3: memref<49x192xf32, #tpu.memory_space<hbm>>, %arg4: memref<663552x192xf32, #tpu.memory_space<hbm>>, %arg5: memref<1152xi32, #tpu.memory_space<vmem>>, %arg6: memref<20736xi32, #tpu.memory_space<vmem>>, %arg7: memref<3x128x192xf32, #tpu.memory_space<vmem>>, %arg8: memref<!tpu.dma_semaphore, #tpu.memory_space<semaphore_mem>>, %arg9: memref<!tpu.dma_semaphore, #tpu.memory_space<semaphore_mem>>, %arg10: memref<!tpu.dma_semaphore, #tpu.memory_space<semaphore_mem>>, %arg11: memref<!tpu.dma_semaphore, #tpu.memory_space<semaphore_mem>>, %arg12: memref<!tpu.dma_semaphore, #tpu.memory_space<semaphore_mem>>, %arg13: memref<!tpu.dma_semaphore, #tpu.memory_space<semaphore_mem>>) attributes {dimension_semantics = [#tpu.dimension_semantics<core_parallel>, #tpu.dimension_semantics<subcore_parallel>], iteration_bounds = array<i64: 2, 16>, scalar_prefetch = 0 : i64, scratch_operands = 9 : i64, tpu.core_type = #tpu.core_type<sc_vector_subcore>, window_params = [{transform_indices = #map}, {transform_indices = #map1}, {transform_indices = #map1}]} {
    %mul3A = arith.constant 2 : i32
    %mul3A_0 = arith.muli %arg1, %mul3A : i32
    %add3A = arith.addi %mul3A_0, %arg0 : i32
    "tpu.region"() ({
      %run_scoped3A = tpu.sem_alloc : memref<!tpu.dma_semaphore, #tpu.memory_space<semaphore_mem>>
      tpu.enqueue_dma source(%arg2 : memref<1152xi32, #tpu.memory_space<hbm>>) target(%arg5 : memref<1152xi32, #tpu.memory_space<vmem>>) target_semaphore(%run_scoped3A : memref<!tpu.dma_semaphore, #tpu.memory_space<semaphore_mem>>)
      tpu.wait_dma2 semaphore(%run_scoped3A : memref<!tpu.dma_semaphore, #tpu.memory_space<semaphore_mem>>) src(%arg2 : memref<1152xi32, #tpu.memory_space<hbm>>) dst(%arg5 : memref<1152xi32, #tpu.memory_space<vmem>>)
      tpu.yield
    }) : () -> ()
    %iota3A = tpu.iota {dimensions = array<i32: 0>} : vector<16xi32>
    %scan3A = arith.constant 0 : i32
    %scan3A_1 = arith.constant 0 : i32
    %scan3A_2 = arith.constant 18 : i32
    %scan3A_3 = arith.addi %scan3A_1, %scan3A_2 : i32
    %scan3A_4 = arith.constant 1 : i32
    %scan3A_5 = scf.for %scan3A_89 = %scan3A_1 to %scan3A_3 step %scan3A_4 iter_args(%scan3A_90 = %scan3A) -> (i32)  : i32 {
      %mul3A_91 = arith.constant 18 : i32
      %mul3A_92 = arith.muli %add3A, %mul3A_91 : i32
      %add3A_93 = arith.addi %mul3A_92, %scan3A_89 : i32
      %mul3A_94 = arith.constant 2 : i32
      %mul3A_95 = arith.muli %mul3A_94, %add3A_93 : i32
      %broadcast_in_dim3A = vector.broadcast %mul3A_95 : i32 to vector<16xi32>
      %gather3A = tpu.vector_load_idx %arg5[%broadcast_in_dim3A] : memref<1152xi32, #tpu.memory_space<vmem>>[vector<16xi32>], vector<16xi32>,
      %add3A_96 = arith.constant 1 : i32
      %add3A_97 = vector.broadcast %add3A_96 : i32 to vector<16xi32>
      %add3A_98 = arith.addi %broadcast_in_dim3A, %add3A_97 : vector<16xi32>
      %gather3A_99 = tpu.vector_load_idx %arg5[%add3A_98] : memref<1152xi32, #tpu.memory_space<vmem>>[vector<16xi32>], vector<16xi32>,
      %scan3A_100 = arith.constant 0 : i32
      %scan3A_101 = arith.constant 0 : i32
      %scan3A_102 = arith.constant 36 : i32
      %scan3A_103 = arith.addi %scan3A_101, %scan3A_102 : i32
      %scan3A_104 = arith.constant 1 : i32
      %scan3A_105 = scf.for %scan3A_108 = %scan3A_101 to %scan3A_103 step %scan3A_104 iter_args(%scan3A_109 = %scan3A_100) -> (i32)  : i32 {
        %mul3A_110 = arith.constant 16 : i32
        %mul3A_111 = arith.muli %scan3A_108, %mul3A_110 : i32
        %add3A_112 = vector.broadcast %mul3A_111 : i32 to vector<16xi32>
        %add3A_113 = arith.addi %add3A_112, %iota3A : vector<16xi32>
        %mul3A_114 = arith.constant 2 : i32
        %mul3A_115 = vector.broadcast %mul3A_114 : i32 to vector<16xi32>
        %mul3A_116 = arith.muli %mul3A_115, %add3A_113 : vector<16xi32>
        %gather3A_117 = tpu.vector_load_idx %arg5[%mul3A_116] : memref<1152xi32, #tpu.memory_space<vmem>>[vector<16xi32>], vector<16xi32>,
        %add3A_118 = arith.constant 1 : i32
        %add3A_119 = vector.broadcast %add3A_118 : i32 to vector<16xi32>
        %add3A_120 = arith.addi %mul3A_116, %add3A_119 : vector<16xi32>
        %gather3A_121 = tpu.vector_load_idx %arg5[%add3A_120] : memref<1152xi32, #tpu.memory_space<vmem>>[vector<16xi32>], vector<16xi32>,
        %sub3A = arith.subi %gather3A, %gather3A_117 : vector<16xi32>
        %jit3A = arith.constant -24 : i32
        %jit3A_122 = arith.constant 24 : i32
        %max3A = vector.broadcast %jit3A : i32 to vector<16xi32>
        %max3A_123 = arith.maxsi %max3A, %sub3A : vector<16xi32>
        %min3A = vector.broadcast %jit3A_122 : i32 to vector<16xi32>
        %min3A_124 = arith.minsi %min3A, %max3A_123 : vector<16xi32>
        %add3A_125 = arith.constant 24 : i32
        %add3A_126 = vector.broadcast %add3A_125 : i32 to vector<16xi32>
        %add3A_127 = arith.addi %min3A_124, %add3A_126 : vector<16xi32>
        %sub3A_128 = arith.subi %gather3A_99, %gather3A_121 : vector<16xi32>
        %jit3A_129 = arith.constant -24 : i32
        %jit3A_130 = arith.constant 24 : i32
        %max3A_131 = vector.broadcast %jit3A_129 : i32 to vector<16xi32>
        %max3A_132 = arith.maxsi %max3A_131, %sub3A_128 : vector<16xi32>
        %min3A_133 = vector.broadcast %jit3A_130 : i32 to vector<16xi32>
        %min3A_134 = arith.minsi %min3A_133, %max3A_132 : vector<16xi32>
        %add3A_135 = arith.constant 24 : i32
        %add3A_136 = vector.broadcast %add3A_135 : i32 to vector<16xi32>
        %add3A_137 = arith.addi %min3A_134, %add3A_136 : vector<16xi32>
        %mul3A_138 = arith.constant 1152 : i32
        %mul3A_139 = arith.muli %scan3A_89, %mul3A_138 : i32
        %mul3A_140 = arith.constant 32 : i32
        %mul3A_141 = arith.muli %scan3A_108, %mul3A_140 : i32
        %add3A_142 = arith.addi %mul3A_139, %mul3A_141 : i32
        %mul3A_143 = arith.constant 2 : i32
        %mul3A_144 = vector.broadcast %mul3A_143 : i32 to vector<16xi32>
        %mul3A_145 = arith.muli %mul3A_144, %iota3A : vector<16xi32>
        %add3A_146 = vector.broadcast %add3A_142 : i32 to vector<16xi32>
        %add3A_147 = arith.addi %add3A_146, %mul3A_145 : vector<16xi32>
        tpu.vector_store_idx %arg6[%add3A_147], %add3A_127 : memref<20736xi32, #tpu.memory_space<vmem>>[vector<16xi32>], vector<16xi32>,
        %add3A_148 = arith.constant 1 : i32
        %add3A_149 = vector.broadcast %add3A_148 : i32 to vector<16xi32>
        %add3A_150 = arith.addi %add3A_147, %add3A_149 : vector<16xi32>
        tpu.vector_store_idx %arg6[%add3A_150], %add3A_137 : memref<20736xi32, #tpu.memory_space<vmem>>[vector<16xi32>], vector<16xi32>,
        %scan3A_151 = arith.constant 0 : i32
        scf.yield %scan3A_151 : i32
      }
      %scan3A_106 = arith.constant 36 : i32
      %scan3A_107 = arith.constant 0 : i32
      scf.yield %scan3A_107 : i32
    }
    %scan3A_6 = arith.constant 18 : i32
    %mul3A_7 = arith.constant 20736 : i32
    %mul3A_8 = arith.muli %add3A, %mul3A_7 : i32
    %dma_start3A = arith.constant 0 : i32
    %dma_start3A_9 = arith.constant 0 : i32
    %dma_start3A_10 = arith.constant 0 : i32
    %dma_start3A_11 = tpu.memref_slice %arg7[%dma_start3A, %dma_start3A_9, %dma_start3A_10] : memref<3x128x192xf32, #tpu.memory_space<vmem>> -> memref<1x128x192xf32, #tpu.memory_space<vmem>>
    %dma_start3A_12 = tpu.memref_squeeze %dma_start3A_11 : memref<1x128x192xf32, #tpu.memory_space<vmem>> -> memref<128x192xf32, #tpu.memory_space<vmem>>
    %dma_start3A_13 = arith.constant 0 : i32
    %dma_start3A_14 = tpu.memref_slice %arg6[%dma_start3A_13] : memref<20736xi32, #tpu.memory_space<vmem>> -> memref<128xi32, #tpu.memory_space<vmem>>
    %dma_start3A_15 = arith.constant 0 : i32
    %dma_start3A_16 = arith.constant 0 : i32
    %dma_start3A_17 = tpu.memref_slice %arg3[%dma_start3A_15, %dma_start3A_16] : memref<49x192xf32, #tpu.memory_space<hbm>> -> memref<49x192xf32, #tpu.memory_space<hbm>>
    tpu.enqueue_indirect_dma source(%dma_start3A_17 : memref<49x192xf32, #tpu.memory_space<hbm>>) target(%dma_start3A_12 : memref<128x192xf32, #tpu.memory_space<vmem>>) offsets(%dma_start3A_14 : memref<128xi32, #tpu.memory_space<vmem>>) semaphore(%arg8 : memref<!tpu.dma_semaphore, #tpu.memory_space<semaphore_mem>>)
    %dma_start3A_18 = arith.constant 1 : i32
    %dma_start3A_19 = arith.constant 0 : i32
    %dma_start3A_20 = arith.constant 0 : i32
    %dma_start3A_21 = tpu.memref_slice %arg7[%dma_start3A_18, %dma_start3A_19, %dma_start3A_20] : memref<3x128x192xf32, #tpu.memory_space<vmem>> -> memref<1x128x192xf32, #tpu.memory_space<vmem>>
    %dma_start3A_22 = tpu.memref_squeeze %dma_start3A_21 : memref<1x128x192xf32, #tpu.memory_space<vmem>> -> memref<128x192xf32, #tpu.memory_space<vmem>>
    %dma_start3A_23 = arith.constant 128 : i32
    %dma_start3A_24 = tpu.memref_slice %arg6[%dma_start3A_23] : memref<20736xi32, #tpu.memory_space<vmem>> -> memref<128xi32, #tpu.memory_space<vmem>>
    %dma_start3A_25 = arith.constant 0 : i32
    %dma_start3A_26 = arith.constant 0 : i32
    %dma_start3A_27 = tpu.memref_slice %arg3[%dma_start3A_25, %dma_start3A_26] : memref<49x192xf32, #tpu.memory_space<hbm>> -> memref<49x192xf32, #tpu.memory_space<hbm>>
    tpu.enqueue_indirect_dma source(%dma_start3A_27 : memref<49x192xf32, #tpu.memory_space<hbm>>) target(%dma_start3A_22 : memref<128x192xf32, #tpu.memory_space<vmem>>) offsets(%dma_start3A_24 : memref<128xi32, #tpu.memory_space<vmem>>) semaphore(%arg9 : memref<!tpu.dma_semaphore, #tpu.memory_space<semaphore_mem>>)
    %dma_start3A_28 = arith.constant 2 : i32
    %dma_start3A_29 = arith.constant 0 : i32
    %dma_start3A_30 = arith.constant 0 : i32
    %dma_start3A_31 = tpu.memref_slice %arg7[%dma_start3A_28, %dma_start3A_29, %dma_start3A_30] : memref<3x128x192xf32, #tpu.memory_space<vmem>> -> memref<1x128x192xf32, #tpu.memory_space<vmem>>
    %dma_start3A_32 = tpu.memref_squeeze %dma_start3A_31 : memref<1x128x192xf32, #tpu.memory_space<vmem>> -> memref<128x192xf32, #tpu.memory_space<vmem>>
    %dma_start3A_33 = arith.constant 256 : i32
    %dma_start3A_34 = tpu.memref_slice %arg6[%dma_start3A_33] : memref<20736xi32, #tpu.memory_space<vmem>> -> memref<128xi32, #tpu.memory_space<vmem>>
    %dma_start3A_35 = arith.constant 0 : i32
    %dma_start3A_36 = arith.constant 0 : i32
    %dma_start3A_37 = tpu.memref_slice %arg3[%dma_start3A_35, %dma_start3A_36] : memref<49x192xf32, #tpu.memory_space<hbm>> -> memref<49x192xf32, #tpu.memory_space<hbm>>
    tpu.enqueue_indirect_dma source(%dma_start3A_37 : memref<49x192xf32, #tpu.memory_space<hbm>>) target(%dma_start3A_32 : memref<128x192xf32, #tpu.memory_space<vmem>>) offsets(%dma_start3A_34 : memref<128xi32, #tpu.memory_space<vmem>>) semaphore(%arg10 : memref<!tpu.dma_semaphore, #tpu.memory_space<semaphore_mem>>)
    %scan3A_38 = arith.constant 0 : i32
    %scan3A_39 = arith.constant 0 : i32
    %scan3A_40 = arith.constant 54 : i32
    %scan3A_41 = arith.addi %scan3A_39, %scan3A_40 : i32
    %scan3A_42 = arith.constant 1 : i32
    %scan3A_43 = scf.for %scan3A_89 = %scan3A_39 to %scan3A_41 step %scan3A_42 iter_args(%scan3A_90 = %scan3A_38) -> (i32)  : i32 {
      %mul3A_91 = arith.constant 3 : i32
      %mul3A_92 = arith.muli %scan3A_89, %mul3A_91 : i32
      %add3A_93 = arith.constant 0 : i32
      %add3A_94 = arith.addi %mul3A_92, %add3A_93 : i32
      %mul3A_95 = arith.constant 128 : i32
      %mul3A_96 = arith.muli %add3A_94, %mul3A_95 : i32
      %dma_wait3A_97 = arith.constant 0 : i32
      %dma_wait3A_98 = arith.constant 0 : i32
      %dma_wait3A_99 = arith.constant 0 : i32
      %dma_wait3A_100 = tpu.memref_slice %arg7[%dma_wait3A_97, %dma_wait3A_98, %dma_wait3A_99] : memref<3x128x192xf32, #tpu.memory_space<vmem>> -> memref<1x128x192xf32, #tpu.memory_space<vmem>>
      %dma_wait3A_101 = tpu.memref_squeeze %dma_wait3A_100 : memref<1x128x192xf32, #tpu.memory_space<vmem>> -> memref<128x192xf32, #tpu.memory_space<vmem>>
      %dma_wait3A_102 = tpu.memref_slice %arg6[%mul3A_96] : memref<20736xi32, #tpu.memory_space<vmem>> -> memref<128xi32, #tpu.memory_space<vmem>>
      %dma_wait3A_103 = arith.constant 0 : i32
      %dma_wait3A_104 = arith.constant 0 : i32
      %dma_wait3A_105 = tpu.memref_slice %arg3[%dma_wait3A_103, %dma_wait3A_104] : memref<49x192xf32, #tpu.memory_space<hbm>> -> memref<49x192xf32, #tpu.memory_space<hbm>>
      tpu.wait_indirect_dma semaphore(%arg8 : memref<!tpu.dma_semaphore, #tpu.memory_space<semaphore_mem>>) src(%dma_wait3A_105 : memref<49x192xf32, #tpu.memory_space<hbm>>) dst(%dma_wait3A_101 : memref<128x192xf32, #tpu.memory_space<vmem>>)
      %mul3A_106 = arith.constant 128 : i32
      %mul3A_107 = arith.muli %add3A_94, %mul3A_106 : i32
      %add3A_108 = arith.addi %mul3A_8, %mul3A_107 : i32
      %dma_start3A_109 = arith.constant 0 : i32
      %dma_start3A_110 = arith.constant 0 : i32
      %dma_start3A_111 = arith.constant 0 : i32
      %dma_start3A_112 = tpu.memref_slice %arg7[%dma_start3A_109, %dma_start3A_110, %dma_start3A_111] : memref<3x128x192xf32, #tpu.memory_space<vmem>> -> memref<1x128x192xf32, #tpu.memory_space<vmem>>
      %dma_start3A_113 = tpu.memref_squeeze %dma_start3A_112 : memref<1x128x192xf32, #tpu.memory_space<vmem>> -> memref<128x192xf32, #tpu.memory_space<vmem>>
      %dma_start3A_114 = arith.constant 0 : i32
      %dma_start3A_115 = tpu.memref_slice %arg4[%add3A_108, %dma_start3A_114] : memref<663552x192xf32, #tpu.memory_space<hbm>> -> memref<128x192xf32, #tpu.memory_space<hbm>>
      %dma_start3A_116 = arith.constant 0 : i32
      %dma_start3A_117 = tpu.memref_slice %arg4[%add3A_108, %dma_start3A_116] : memref<663552x192xf32, #tpu.memory_space<hbm>> -> memref<128x192xf32, #tpu.memory_space<hbm>>
      %dma_start3A_118 = arith.constant 0 : i32
      %dma_start3A_119 = arith.constant 0 : i32
      %dma_start3A_120 = tpu.memref_slice %arg7[%dma_start3A_109, %dma_start3A_118, %dma_start3A_119] : memref<3x128x192xf32, #tpu.memory_space<vmem>> -> memref<1x128x192xf32, #tpu.memory_space<vmem>>
      %dma_start3A_121 = tpu.memref_squeeze %dma_start3A_120 : memref<1x128x192xf32, #tpu.memory_space<vmem>> -> memref<128x192xf32, #tpu.memory_space<vmem>>
      tpu.enqueue_dma source(%dma_start3A_121 : memref<128x192xf32, #tpu.memory_space<vmem>>) target(%dma_start3A_117 : memref<128x192xf32, #tpu.memory_space<hbm>>) target_semaphore(%arg11 : memref<!tpu.dma_semaphore, #tpu.memory_space<semaphore_mem>>)
      %add3A_122 = arith.constant 3 : i32
      %add3A_123 = arith.addi %add3A_94, %add3A_122 : i32
      %lt3A = arith.constant 162 : i32
      %lt3A_124 = arith.cmpi slt, %add3A_123, %lt3A : i32
      %convert_element_type3A = arith.extui %lt3A_124 : i1 to i32
      %cond3A = arith.constant 0 : i32
      %cond3A_125 = arith.cmpi ne, %convert_element_type3A, %cond3A : i32
      scf.if %cond3A_125 {
        %dma_wait3A_203 = arith.constant 0 : i32
        %dma_wait3A_204 = arith.constant 0 : i32
        %dma_wait3A_205 = arith.constant 0 : i32
        %dma_wait3A_206 = tpu.memref_slice %arg7[%dma_wait3A_203, %dma_wait3A_204, %dma_wait3A_205] : memref<3x128x192xf32, #tpu.memory_space<vmem>> -> memref<1x128x192xf32, #tpu.memory_space<vmem>>
        %dma_wait3A_207 = tpu.memref_squeeze %dma_wait3A_206 : memref<1x128x192xf32, #tpu.memory_space<vmem>> -> memref<128x192xf32, #tpu.memory_space<vmem>>
        %dma_wait3A_208 = arith.constant 0 : i32
        %dma_wait3A_209 = tpu.memref_slice %arg4[%add3A_108, %dma_wait3A_208] : memref<663552x192xf32, #tpu.memory_space<hbm>> -> memref<128x192xf32, #tpu.memory_space<hbm>>
        %dma_wait3A_210 = arith.constant 0 : i32
        %dma_wait3A_211 = tpu.memref_slice %arg4[%add3A_108, %dma_wait3A_210] : memref<663552x192xf32, #tpu.memory_space<hbm>> -> memref<128x192xf32, #tpu.memory_space<hbm>>
        %dma_wait3A_212 = arith.constant 0 : i32
        %dma_wait3A_213 = arith.constant 0 : i32
        %dma_wait3A_214 = tpu.memref_slice %arg7[%dma_wait3A_203, %dma_wait3A_212, %dma_wait3A_213] : memref<3x128x192xf32, #tpu.memory_space<vmem>> -> memref<1x128x192xf32, #tpu.memory_space<vmem>>
        %dma_wait3A_215 = tpu.memref_squeeze %dma_wait3A_214 : memref<1x128x192xf32, #tpu.memory_space<vmem>> -> memref<128x192xf32, #tpu.memory_space<vmem>>
        tpu.wait_dma2 semaphore(%arg11 : memref<!tpu.dma_semaphore, #tpu.memory_space<semaphore_mem>>) src(%dma_wait3A_215 : memref<128x192xf32, #tpu.memory_space<vmem>>) dst(%dma_wait3A_211 : memref<128x192xf32, #tpu.memory_space<hbm>>)
        %add3A_216 = arith.constant 3 : i32
        %add3A_217 = arith.addi %add3A_94, %add3A_216 : i32
        %mul3A_218 = arith.constant 128 : i32
        %mul3A_219 = arith.muli %add3A_217, %mul3A_218 : i32
        %dma_start3A_220 = arith.constant 0 : i32
        %dma_start3A_221 = arith.constant 0 : i32
        %dma_start3A_222 = arith.constant 0 : i32
        %dma_start3A_223 = tpu.memref_slice %arg7[%dma_start3A_220, %dma_start3A_221, %dma_start3A_222] : memref<3x128x192xf32, #tpu.memory_space<vmem>> -> memref<1x128x192xf32, #tpu.memory_space<vmem>>
        %dma_start3A_224 = tpu.memref_squeeze %dma_start3A_223 : memref<1x128x192xf32, #tpu.memory_space<vmem>> -> memref<128x192xf32, #tpu.memory_space<vmem>>
        %dma_start3A_225 = tpu.memref_slice %arg6[%mul3A_219] : memref<20736xi32, #tpu.memory_space<vmem>> -> memref<128xi32, #tpu.memory_space<vmem>>
        %dma_start3A_226 = arith.constant 0 : i32
        %dma_start3A_227 = arith.constant 0 : i32
        %dma_start3A_228 = tpu.memref_slice %arg3[%dma_start3A_226, %dma_start3A_227] : memref<49x192xf32, #tpu.memory_space<hbm>> -> memref<49x192xf32, #tpu.memory_space<hbm>>
        tpu.enqueue_indirect_dma source(%dma_start3A_228 : memref<49x192xf32, #tpu.memory_space<hbm>>) target(%dma_start3A_224 : memref<128x192xf32, #tpu.memory_space<vmem>>) offsets(%dma_start3A_225 : memref<128xi32, #tpu.memory_space<vmem>>) semaphore(%arg8 : memref<!tpu.dma_semaphore, #tpu.memory_space<semaphore_mem>>)
      } else {
      }
      %mul3A_126 = arith.constant 3 : i32
      %mul3A_127 = arith.muli %scan3A_89, %mul3A_126 : i32
      %add3A_128 = arith.constant 1 : i32
      %add3A_129 = arith.addi %mul3A_127, %add3A_128 : i32
      %mul3A_130 = arith.constant 128 : i32
      %mul3A_131 = arith.muli %add3A_129, %mul3A_130 : i32
      %dma_wait3A_132 = arith.constant 1 : i32
      %dma_wait3A_133 = arith.constant 0 : i32
      %dma_wait3A_134 = arith.constant 0 : i32
      %dma_wait3A_135 = tpu.memref_slice %arg7[%dma_wait3A_132, %dma_wait3A_133, %dma_wait3A_134] : memref<3x128x192xf32, #tpu.memory_space<vmem>> -> memref<1x128x192xf32, #tpu.memory_space<vmem>>
      %dma_wait3A_136 = tpu.memref_squeeze %dma_wait3A_135 : memref<1x128x192xf32, #tpu.memory_space<vmem>> -> memref<128x192xf32, #tpu.memory_space<vmem>>
      %dma_wait3A_137 = tpu.memref_slice %arg6[%mul3A_131] : memref<20736xi32, #tpu.memory_space<vmem>> -> memref<128xi32, #tpu.memory_space<vmem>>
      %dma_wait3A_138 = arith.constant 0 : i32
      %dma_wait3A_139 = arith.constant 0 : i32
      %dma_wait3A_140 = tpu.memref_slice %arg3[%dma_wait3A_138, %dma_wait3A_139] : memref<49x192xf32, #tpu.memory_space<hbm>> -> memref<49x192xf32, #tpu.memory_space<hbm>>
      tpu.wait_indirect_dma semaphore(%arg9 : memref<!tpu.dma_semaphore, #tpu.memory_space<semaphore_mem>>) src(%dma_wait3A_140 : memref<49x192xf32, #tpu.memory_space<hbm>>) dst(%dma_wait3A_136 : memref<128x192xf32, #tpu.memory_space<vmem>>)
      %mul3A_141 = arith.constant 128 : i32
      %mul3A_142 = arith.muli %add3A_129, %mul3A_141 : i32
      %add3A_143 = arith.addi %mul3A_8, %mul3A_142 : i32
      %dma_start3A_144 = arith.constant 1 : i32
      %dma_start3A_145 = arith.constant 0 : i32
      %dma_start3A_146 = arith.constant 0 : i32
      %dma_start3A_147 = tpu.memref_slice %arg7[%dma_start3A_144, %dma_start3A_145, %dma_start3A_146] : memref<3x128x192xf32, #tpu.memory_space<vmem>> -> memref<1x128x192xf32, #tpu.memory_space<vmem>>
      %dma_start3A_148 = tpu.memref_squeeze %dma_start3A_147 : memref<1x128x192xf32, #tpu.memory_space<vmem>> -> memref<128x192xf32, #tpu.memory_space<vmem>>
      %dma_start3A_149 = arith.constant 0 : i32
      %dma_start3A_150 = tpu.memref_slice %arg4[%add3A_143, %dma_start3A_149] : memref<663552x192xf32, #tpu.memory_space<hbm>> -> memref<128x192xf32, #tpu.memory_space<hbm>>
      %dma_start3A_151 = arith.constant 0 : i32
      %dma_start3A_152 = tpu.memref_slice %arg4[%add3A_143, %dma_start3A_151] : memref<663552x192xf32, #tpu.memory_space<hbm>> -> memref<128x192xf32, #tpu.memory_space<hbm>>
      %dma_start3A_153 = arith.constant 0 : i32
      %dma_start3A_154 = arith.constant 0 : i32
      %dma_start3A_155 = tpu.memref_slice %arg7[%dma_start3A_144, %dma_start3A_153, %dma_start3A_154] : memref<3x128x192xf32, #tpu.memory_space<vmem>> -> memref<1x128x192xf32, #tpu.memory_space<vmem>>
      %dma_start3A_156 = tpu.memref_squeeze %dma_start3A_155 : memref<1x128x192xf32, #tpu.memory_space<vmem>> -> memref<128x192xf32, #tpu.memory_space<vmem>>
      tpu.enqueue_dma source(%dma_start3A_156 : memref<128x192xf32, #tpu.memory_space<vmem>>) target(%dma_start3A_152 : memref<128x192xf32, #tpu.memory_space<hbm>>) target_semaphore(%arg12 : memref<!tpu.dma_semaphore, #tpu.memory_space<semaphore_mem>>)
      %add3A_157 = arith.constant 3 : i32
      %add3A_158 = arith.addi %add3A_129, %add3A_157 : i32
      %lt3A_159 = arith.constant 162 : i32
      %lt3A_160 = arith.cmpi slt, %add3A_158, %lt3A_159 : i32
      %convert_element_type3A_161 = arith.extui %lt3A_160 : i1 to i32
      %cond3A_162 = arith.constant 0 : i32
      %cond3A_163 = arith.cmpi ne, %convert_element_type3A_161, %cond3A_162 : i32
      scf.if %cond3A_163 {
        %dma_wait3A_203 = arith.constant 1 : i32
        %dma_wait3A_204 = arith.constant 0 : i32
        %dma_wait3A_205 = arith.constant 0 : i32
        %dma_wait3A_206 = tpu.memref_slice %arg7[%dma_wait3A_203, %dma_wait3A_204, %dma_wait3A_205] : memref<3x128x192xf32, #tpu.memory_space<vmem>> -> memref<1x128x192xf32, #tpu.memory_space<vmem>>
        %dma_wait3A_207 = tpu.memref_squeeze %dma_wait3A_206 : memref<1x128x192xf32, #tpu.memory_space<vmem>> -> memref<128x192xf32, #tpu.memory_space<vmem>>
        %dma_wait3A_208 = arith.constant 0 : i32
        %dma_wait3A_209 = tpu.memref_slice %arg4[%add3A_143, %dma_wait3A_208] : memref<663552x192xf32, #tpu.memory_space<hbm>> -> memref<128x192xf32, #tpu.memory_space<hbm>>
        %dma_wait3A_210 = arith.constant 0 : i32
        %dma_wait3A_211 = tpu.memref_slice %arg4[%add3A_143, %dma_wait3A_210] : memref<663552x192xf32, #tpu.memory_space<hbm>> -> memref<128x192xf32, #tpu.memory_space<hbm>>
        %dma_wait3A_212 = arith.constant 0 : i32
        %dma_wait3A_213 = arith.constant 0 : i32
        %dma_wait3A_214 = tpu.memref_slice %arg7[%dma_wait3A_203, %dma_wait3A_212, %dma_wait3A_213] : memref<3x128x192xf32, #tpu.memory_space<vmem>> -> memref<1x128x192xf32, #tpu.memory_space<vmem>>
        %dma_wait3A_215 = tpu.memref_squeeze %dma_wait3A_214 : memref<1x128x192xf32, #tpu.memory_space<vmem>> -> memref<128x192xf32, #tpu.memory_space<vmem>>
        tpu.wait_dma2 semaphore(%arg12 : memref<!tpu.dma_semaphore, #tpu.memory_space<semaphore_mem>>) src(%dma_wait3A_215 : memref<128x192xf32, #tpu.memory_space<vmem>>) dst(%dma_wait3A_211 : memref<128x192xf32, #tpu.memory_space<hbm>>)
        %add3A_216 = arith.constant 3 : i32
        %add3A_217 = arith.addi %add3A_129, %add3A_216 : i32
        %mul3A_218 = arith.constant 128 : i32
        %mul3A_219 = arith.muli %add3A_217, %mul3A_218 : i32
        %dma_start3A_220 = arith.constant 1 : i32
        %dma_start3A_221 = arith.constant 0 : i32
        %dma_start3A_222 = arith.constant 0 : i32
        %dma_start3A_223 = tpu.memref_slice %arg7[%dma_start3A_220, %dma_start3A_221, %dma_start3A_222] : memref<3x128x192xf32, #tpu.memory_space<vmem>> -> memref<1x128x192xf32, #tpu.memory_space<vmem>>
        %dma_start3A_224 = tpu.memref_squeeze %dma_start3A_223 : memref<1x128x192xf32, #tpu.memory_space<vmem>> -> memref<128x192xf32, #tpu.memory_space<vmem>>
        %dma_start3A_225 = tpu.memref_slice %arg6[%mul3A_219] : memref<20736xi32, #tpu.memory_space<vmem>> -> memref<128xi32, #tpu.memory_space<vmem>>
        %dma_start3A_226 = arith.constant 0 : i32
        %dma_start3A_227 = arith.constant 0 : i32
        %dma_start3A_228 = tpu.memref_slice %arg3[%dma_start3A_226, %dma_start3A_227] : memref<49x192xf32, #tpu.memory_space<hbm>> -> memref<49x192xf32, #tpu.memory_space<hbm>>
        tpu.enqueue_indirect_dma source(%dma_start3A_228 : memref<49x192xf32, #tpu.memory_space<hbm>>) target(%dma_start3A_224 : memref<128x192xf32, #tpu.memory_space<vmem>>) offsets(%dma_start3A_225 : memref<128xi32, #tpu.memory_space<vmem>>) semaphore(%arg9 : memref<!tpu.dma_semaphore, #tpu.memory_space<semaphore_mem>>)
      } else {
      }
      %mul3A_164 = arith.constant 3 : i32
      %mul3A_165 = arith.muli %scan3A_89, %mul3A_164 : i32
      %add3A_166 = arith.constant 2 : i32
      %add3A_167 = arith.addi %mul3A_165, %add3A_166 : i32
      %mul3A_168 = arith.constant 128 : i32
      %mul3A_169 = arith.muli %add3A_167, %mul3A_168 : i32
      %dma_wait3A_170 = arith.constant 2 : i32
      %dma_wait3A_171 = arith.constant 0 : i32
      %dma_wait3A_172 = arith.constant 0 : i32
      %dma_wait3A_173 = tpu.memref_slice %arg7[%dma_wait3A_170, %dma_wait3A_171, %dma_wait3A_172] : memref<3x128x192xf32, #tpu.memory_space<vmem>> -> memref<1x128x192xf32, #tpu.memory_space<vmem>>
      %dma_wait3A_174 = tpu.memref_squeeze %dma_wait3A_173 : memref<1x128x192xf32, #tpu.memory_space<vmem>> -> memref<128x192xf32, #tpu.memory_space<vmem>>
      %dma_wait3A_175 = tpu.memref_slice %arg6[%mul3A_169] : memref<20736xi32, #tpu.memory_space<vmem>> -> memref<128xi32, #tpu.memory_space<vmem>>
      %dma_wait3A_176 = arith.constant 0 : i32
      %dma_wait3A_177 = arith.constant 0 : i32
      %dma_wait3A_178 = tpu.memref_slice %arg3[%dma_wait3A_176, %dma_wait3A_177] : memref<49x192xf32, #tpu.memory_space<hbm>> -> memref<49x192xf32, #tpu.memory_space<hbm>>
      tpu.wait_indirect_dma semaphore(%arg10 : memref<!tpu.dma_semaphore, #tpu.memory_space<semaphore_mem>>) src(%dma_wait3A_178 : memref<49x192xf32, #tpu.memory_space<hbm>>) dst(%dma_wait3A_174 : memref<128x192xf32, #tpu.memory_space<vmem>>)
      %mul3A_179 = arith.constant 128 : i32
      %mul3A_180 = arith.muli %add3A_167, %mul3A_179 : i32
      %add3A_181 = arith.addi %mul3A_8, %mul3A_180 : i32
      %dma_start3A_182 = arith.constant 2 : i32
      %dma_start3A_183 = arith.constant 0 : i32
      %dma_start3A_184 = arith.constant 0 : i32
      %dma_start3A_185 = tpu.memref_slice %arg7[%dma_start3A_182, %dma_start3A_183, %dma_start3A_184] : memref<3x128x192xf32, #tpu.memory_space<vmem>> -> memref<1x128x192xf32, #tpu.memory_space<vmem>>
      %dma_start3A_186 = tpu.memref_squeeze %dma_start3A_185 : memref<1x128x192xf32, #tpu.memory_space<vmem>> -> memref<128x192xf32, #tpu.memory_space<vmem>>
      %dma_start3A_187 = arith.constant 0 : i32
      %dma_start3A_188 = tpu.memref_slice %arg4[%add3A_181, %dma_start3A_187] : memref<663552x192xf32, #tpu.memory_space<hbm>> -> memref<128x192xf32, #tpu.memory_space<hbm>>
      %dma_start3A_189 = arith.constant 0 : i32
      %dma_start3A_190 = tpu.memref_slice %arg4[%add3A_181, %dma_start3A_189] : memref<663552x192xf32, #tpu.memory_space<hbm>> -> memref<128x192xf32, #tpu.memory_space<hbm>>
      %dma_start3A_191 = arith.constant 0 : i32
      %dma_start3A_192 = arith.constant 0 : i32
      %dma_start3A_193 = tpu.memref_slice %arg7[%dma_start3A_182, %dma_start3A_191, %dma_start3A_192] : memref<3x128x192xf32, #tpu.memory_space<vmem>> -> memref<1x128x192xf32, #tpu.memory_space<vmem>>
      %dma_start3A_194 = tpu.memref_squeeze %dma_start3A_193 : memref<1x128x192xf32, #tpu.memory_space<vmem>> -> memref<128x192xf32, #tpu.memory_space<vmem>>
      tpu.enqueue_dma source(%dma_start3A_194 : memref<128x192xf32, #tpu.memory_space<vmem>>) target(%dma_start3A_190 : memref<128x192xf32, #tpu.memory_space<hbm>>) target_semaphore(%arg13 : memref<!tpu.dma_semaphore, #tpu.memory_space<semaphore_mem>>)
      %add3A_195 = arith.constant 3 : i32
      %add3A_196 = arith.addi %add3A_167, %add3A_195 : i32
      %lt3A_197 = arith.constant 162 : i32
      %lt3A_198 = arith.cmpi slt, %add3A_196, %lt3A_197 : i32
      %convert_element_type3A_199 = arith.extui %lt3A_198 : i1 to i32
      %cond3A_200 = arith.constant 0 : i32
      %cond3A_201 = arith.cmpi ne, %convert_element_type3A_199, %cond3A_200 : i32
      scf.if %cond3A_201 {
        %dma_wait3A_203 = arith.constant 2 : i32
        %dma_wait3A_204 = arith.constant 0 : i32
        %dma_wait3A_205 = arith.constant 0 : i32
        %dma_wait3A_206 = tpu.memref_slice %arg7[%dma_wait3A_203, %dma_wait3A_204, %dma_wait3A_205] : memref<3x128x192xf32, #tpu.memory_space<vmem>> -> memref<1x128x192xf32, #tpu.memory_space<vmem>>
        %dma_wait3A_207 = tpu.memref_squeeze %dma_wait3A_206 : memref<1x128x192xf32, #tpu.memory_space<vmem>> -> memref<128x192xf32, #tpu.memory_space<vmem>>
        %dma_wait3A_208 = arith.constant 0 : i32
        %dma_wait3A_209 = tpu.memref_slice %arg4[%add3A_181, %dma_wait3A_208] : memref<663552x192xf32, #tpu.memory_space<hbm>> -> memref<128x192xf32, #tpu.memory_space<hbm>>
        %dma_wait3A_210 = arith.constant 0 : i32
        %dma_wait3A_211 = tpu.memref_slice %arg4[%add3A_181, %dma_wait3A_210] : memref<663552x192xf32, #tpu.memory_space<hbm>> -> memref<128x192xf32, #tpu.memory_space<hbm>>
        %dma_wait3A_212 = arith.constant 0 : i32
        %dma_wait3A_213 = arith.constant 0 : i32
        %dma_wait3A_214 = tpu.memref_slice %arg7[%dma_wait3A_203, %dma_wait3A_212, %dma_wait3A_213] : memref<3x128x192xf32, #tpu.memory_space<vmem>> -> memref<1x128x192xf32, #tpu.memory_space<vmem>>
        %dma_wait3A_215 = tpu.memref_squeeze %dma_wait3A_214 : memref<1x128x192xf32, #tpu.memory_space<vmem>> -> memref<128x192xf32, #tpu.memory_space<vmem>>
        tpu.wait_dma2 semaphore(%arg13 : memref<!tpu.dma_semaphore, #tpu.memory_space<semaphore_mem>>) src(%dma_wait3A_215 : memref<128x192xf32, #tpu.memory_space<vmem>>) dst(%dma_wait3A_211 : memref<128x192xf32, #tpu.memory_space<hbm>>)
        %add3A_216 = arith.constant 3 : i32
        %add3A_217 = arith.addi %add3A_167, %add3A_216 : i32
        %mul3A_218 = arith.constant 128 : i32
        %mul3A_219 = arith.muli %add3A_217, %mul3A_218 : i32
        %dma_start3A_220 = arith.constant 2 : i32
        %dma_start3A_221 = arith.constant 0 : i32
        %dma_start3A_222 = arith.constant 0 : i32
        %dma_start3A_223 = tpu.memref_slice %arg7[%dma_start3A_220, %dma_start3A_221, %dma_start3A_222] : memref<3x128x192xf32, #tpu.memory_space<vmem>> -> memref<1x128x192xf32, #tpu.memory_space<vmem>>
        %dma_start3A_224 = tpu.memref_squeeze %dma_start3A_223 : memref<1x128x192xf32, #tpu.memory_space<vmem>> -> memref<128x192xf32, #tpu.memory_space<vmem>>
        %dma_start3A_225 = tpu.memref_slice %arg6[%mul3A_219] : memref<20736xi32, #tpu.memory_space<vmem>> -> memref<128xi32, #tpu.memory_space<vmem>>
        %dma_start3A_226 = arith.constant 0 : i32
        %dma_start3A_227 = arith.constant 0 : i32
        %dma_start3A_228 = tpu.memref_slice %arg3[%dma_start3A_226, %dma_start3A_227] : memref<49x192xf32, #tpu.memory_space<hbm>> -> memref<49x192xf32, #tpu.memory_space<hbm>>
        tpu.enqueue_indirect_dma source(%dma_start3A_228 : memref<49x192xf32, #tpu.memory_space<hbm>>) target(%dma_start3A_224 : memref<128x192xf32, #tpu.memory_space<vmem>>) offsets(%dma_start3A_225 : memref<128xi32, #tpu.memory_space<vmem>>) semaphore(%arg10 : memref<!tpu.dma_semaphore, #tpu.memory_space<semaphore_mem>>)
      } else {
      }
      %scan3A_202 = arith.constant 0 : i32
      scf.yield %scan3A_202 : i32
    }
    %scan3A_44 = arith.constant 54 : i32
    %add3A_45 = arith.constant 20352 : i32
    %add3A_46 = arith.addi %mul3A_8, %add3A_45 : i32
    %dma_wait3A = arith.constant 0 : i32
    %dma_wait3A_47 = arith.constant 0 : i32
    %dma_wait3A_48 = arith.constant 0 : i32
    %dma_wait3A_49 = tpu.memref_slice %arg7[%dma_wait3A, %dma_wait3A_47, %dma_wait3A_48] : memref<3x128x192xf32, #tpu.memory_space<vmem>> -> memref<1x128x192xf32, #tpu.memory_space<vmem>>
    %dma_wait3A_50 = tpu.memref_squeeze %dma_wait3A_49 : memref<1x128x192xf32, #tpu.memory_space<vmem>> -> memref<128x192xf32, #tpu.memory_space<vmem>>
    %dma_wait3A_51 = arith.constant 0 : i32
    %dma_wait3A_52 = tpu.memref_slice %arg4[%add3A_46, %dma_wait3A_51] : memref<663552x192xf32, #tpu.memory_space<hbm>> -> memref<128x192xf32, #tpu.memory_space<hbm>>
    %dma_wait3A_53 = arith.constant 0 : i32
    %dma_wait3A_54 = tpu.memref_slice %arg4[%add3A_46, %dma_wait3A_53] : memref<663552x192xf32, #tpu.memory_space<hbm>> -> memref<128x192xf32, #tpu.memory_space<hbm>>
    %dma_wait3A_55 = arith.constant 0 : i32
    %dma_wait3A_56 = arith.constant 0 : i32
    %dma_wait3A_57 = tpu.memref_slice %arg7[%dma_wait3A, %dma_wait3A_55, %dma_wait3A_56] : memref<3x128x192xf32, #tpu.memory_space<vmem>> -> memref<1x128x192xf32, #tpu.memory_space<vmem>>
    %dma_wait3A_58 = tpu.memref_squeeze %dma_wait3A_57 : memref<1x128x192xf32, #tpu.memory_space<vmem>> -> memref<128x192xf32, #tpu.memory_space<vmem>>
    tpu.wait_dma2 semaphore(%arg11 : memref<!tpu.dma_semaphore, #tpu.memory_space<semaphore_mem>>) src(%dma_wait3A_58 : memref<128x192xf32, #tpu.memory_space<vmem>>) dst(%dma_wait3A_54 : memref<128x192xf32, #tpu.memory_space<hbm>>)
    %add3A_59 = arith.constant 20480 : i32
    %add3A_60 = arith.addi %mul3A_8, %add3A_59 : i32
    %dma_wait3A_61 = arith.constant 1 : i32
    %dma_wait3A_62 = arith.constant 0 : i32
    %dma_wait3A_63 = arith.constant 0 : i32
    %dma_wait3A_64 = tpu.memref_slice %arg7[%dma_wait3A_61, %dma_wait3A_62, %dma_wait3A_63] : memref<3x128x192xf32, #tpu.memory_space<vmem>> -> memref<1x128x192xf32, #tpu.memory_space<vmem>>
    %dma_wait3A_65 = tpu.memref_squeeze %dma_wait3A_64 : memref<1x128x192xf32, #tpu.memory_space<vmem>> -> memref<128x192xf32, #tpu.memory_space<vmem>>
    %dma_wait3A_66 = arith.constant 0 : i32
    %dma_wait3A_67 = tpu.memref_slice %arg4[%add3A_60, %dma_wait3A_66] : memref<663552x192xf32, #tpu.memory_space<hbm>> -> memref<128x192xf32, #tpu.memory_space<hbm>>
    %dma_wait3A_68 = arith.constant 0 : i32
    %dma_wait3A_69 = tpu.memref_slice %arg4[%add3A_60, %dma_wait3A_68] : memref<663552x192xf32, #tpu.memory_space<hbm>> -> memref<128x192xf32, #tpu.memory_space<hbm>>
    %dma_wait3A_70 = arith.constant 0 : i32
    %dma_wait3A_71 = arith.constant 0 : i32
    %dma_wait3A_72 = tpu.memref_slice %arg7[%dma_wait3A_61, %dma_wait3A_70, %dma_wait3A_71] : memref<3x128x192xf32, #tpu.memory_space<vmem>> -> memref<1x128x192xf32, #tpu.memory_space<vmem>>
    %dma_wait3A_73 = tpu.memref_squeeze %dma_wait3A_72 : memref<1x128x192xf32, #tpu.memory_space<vmem>> -> memref<128x192xf32, #tpu.memory_space<vmem>>
    tpu.wait_dma2 semaphore(%arg12 : memref<!tpu.dma_semaphore, #tpu.memory_space<semaphore_mem>>) src(%dma_wait3A_73 : memref<128x192xf32, #tpu.memory_space<vmem>>) dst(%dma_wait3A_69 : memref<128x192xf32, #tpu.memory_space<hbm>>)
    %add3A_74 = arith.constant 20608 : i32
    %add3A_75 = arith.addi %mul3A_8, %add3A_74 : i32
    %dma_wait3A_76 = arith.constant 2 : i32
    %dma_wait3A_77 = arith.constant 0 : i32
    %dma_wait3A_78 = arith.constant 0 : i32
    %dma_wait3A_79 = tpu.memref_slice %arg7[%dma_wait3A_76, %dma_wait3A_77, %dma_wait3A_78] : memref<3x128x192xf32, #tpu.memory_space<vmem>> -> memref<1x128x192xf32, #tpu.memory_space<vmem>>
    %dma_wait3A_80 = tpu.memref_squeeze %dma_wait3A_79 : memref<1x128x192xf32, #tpu.memory_space<vmem>> -> memref<128x192xf32, #tpu.memory_space<vmem>>
    %dma_wait3A_81 = arith.constant 0 : i32
    %dma_wait3A_82 = tpu.memref_slice %arg4[%add3A_75, %dma_wait3A_81] : memref<663552x192xf32, #tpu.memory_space<hbm>> -> memref<128x192xf32, #tpu.memory_space<hbm>>
    %dma_wait3A_83 = arith.constant 0 : i32
    %dma_wait3A_84 = tpu.memref_slice %arg4[%add3A_75, %dma_wait3A_83] : memref<663552x192xf32, #tpu.memory_space<hbm>> -> memref<128x192xf32, #tpu.memory_space<hbm>>
    %dma_wait3A_85 = arith.constant 0 : i32
    %dma_wait3A_86 = arith.constant 0 : i32
    %dma_wait3A_87 = tpu.memref_slice %arg7[%dma_wait3A_76, %dma_wait3A_85, %dma_wait3A_86] : memref<3x128x192xf32, #tpu.memory_space<vmem>> -> memref<1x128x192xf32, #tpu.memory_space<vmem>>
    %dma_wait3A_88 = tpu.memref_squeeze %dma_wait3A_87 : memref<1x128x192xf32, #tpu.memory_space<vmem>> -> memref<128x192xf32, #tpu.memory_space<vmem>>
    tpu.wait_dma2 semaphore(%arg13 : memref<!tpu.dma_semaphore, #tpu.memory_space<semaphore_mem>>) src(%dma_wait3A_88 : memref<128x192xf32, #tpu.memory_space<vmem>>) dst(%dma_wait3A_84 : memref<128x192xf32, #tpu.memory_space<hbm>>)
    return
  }
}

</mosaic_0001>

<sc_bundles>
// kernel: _run.3.cloned.1.call-start
scs
__scs_entry_jumppad:
0x0: {  	(pc) =	sbr.rel $0x88, $3  }
0x1: {  	(tag) =	ssettag $0x0;
	lr =	simm.s32 $0x1  }
0x2: {  	[smem:$0x3F9F] =	sst lr;
	_ =	strace $0xD0000000  }
0x3: {  	_ = 	snop  }
0x4: {  	_ = 	snop  }
0x5: {  	_ = 	snop  }
0x6: {  	_ = 	snop  }
0x7: {  	_ = 	snop  }
__scs_overlays_trampoline_lowered:
0x8: {  	[smem:$0x3FAE] =	sst s0  }
0x9: {  	[smem:$0x3FAF] =	sst s1  }
0xa: {  	[smem:$0x3FB0] =	sst s2  }
0xb: {  	[smem:$0x3FB1] =	sst s3  }
0xc: {  	[smem:$0x3FB2] =	sst s4  }
0xd: {  	[smem:$0x3FB3] =	sst s5  }
0xe: {  	[smem:$0x3FB4] =	sst s6  }
0xf: {  	[smem:$0x3FB5] =	sst s7  }
0x10: {  	[smem:$0x3FB6] =	sst s8  }
0x11: {  	[smem:$0x3FB7] =	sst s9;
	s0 =	simm.s32 @!p0 $0x0  }
0x12: {  	s1 =	sld [smem:$0x3F9D];
	s0 =	simm.s32 @p0 $0x1  }
0x13: {  	[smem:$0x3FB8] =	sst s0;
	s0 =	simm.s32 @!p1 $0x0  }
0x14: {  	s2 =	sld [smem:$0x3F9C];
	s0 =	simm.s32 @p1 $0x1  }
0x15: {  	[smem:$0x3FB9] =	sst s0;
	s0 =	simm.s32 @!p2 $0x0  }
0x16: {  	s3 =	sld [smem:$0x3FDB];
	s0 =	simm.s32 @p2 $0x1  }
0x17: {  	s4 =	simm.s32 $0x1BF5;
	[smem:$0x3FBB] =	sst s0  }
0x18: {  	s0 =	sld [smem:$0x3F9E];
	_ =	swait.ge [sflag:s4], $0x0  }
0x19: {  	s7 =	sld [smem:$0x3F9F]  }
0x1a: {  	s8 =	sadd.s32 $0xFFFFE003, lr  }
0x1b: {  	s9 =	sadd.s32 $0xFFFFFEF7, lr;
	s5 =	simm.s32 $0xFFFFFFFF;
	p2 =	slt.u32 s8, $0xFFFFF086  }
0x1c: {  	p1 =	slt.u32 s9, $0xF7A;
	s5 =	simm.s32 @!p2 $0x0  }
0x1d: {  	s5 =	simm.s32 @p1 $0x1;
	p0 =	seq.s32 s7, s2  }
0x1e: {  	s7 =	smul.u32 @!p0 $0xF7A, s2;
	p2 =	seq.s32 @!p0 s5, $0x0  }
0x1f: {  	s9 =	smul.u32 $0xF7A, s1;
	s8 =	simm.s32 @!p0 $0x1BF5;
	p2 =	por !p2, p0  }
0x20: {  	[sflag:s8] =	ssyncset.s32 @!p0 $0xFFFFF086;
	s6 =	sadd.s32 @!p0 s3, s7;
	s7 =	simm.s32 @!p0 $0x108  }
0x21: {  	s3 =	sadd.s32 s3, s9;
	s6 =	sadd.s32 @!p0 $0x88, s6;
	s7 =	simm.s32 @p2 $0x1082  }
0x22: {  	[simem:s7], [sflag:s8] =	dma.local @!p0 [hbm:s6], $0xF7A  }
0x23: {  	s9 =	sor.u32 $0xD0000000, s2;
	s6 =	simm.s32 $0x108;
	_ =	swait.ge @!p0 [sflag:s8], $0x0  }
0x24: {  	s3 =	sadd.s32 $0x88, s3;
	s6 =	simm.s32 @!p1 $0x1082;
	[sflag:s4] =	ssyncset.s32 $0xFFFFF086  }
0x25: {  	[simem:s6], [sflag:s4] =	dma.local [hbm:s3], $0xF7A  }
0x26: {  	[smem:$0x3F9F] =	sst s1;
	(tag) =	ssettag s2;
	_ =	strace s9  }
0x27: {  	s1 =	sld [smem:$0x3FAF]  }
0x28: {  	s2 =	sld [smem:$0x3FB0]  }
0x29: {  	s4 =	sld [smem:$0x3FB2]  }
0x2a: {  	p0 =	seq.s32 s5, $0x0;
	s5 =	sld [smem:$0x3FB3]  }
0x2b: {  	s6 =	sld [smem:$0x3FB4]  }
0x2c: {  	s7 =	sld [smem:$0x3FB5]  }
0x2d: {  	s3 =	simm.s32 $0x108;
	s8 =	sld [smem:$0x3FB6]  }
0x2e: {  	s3 =	simm.s32 @!p0 $0x1082;
	s9 =	sld [smem:$0x3FB7]  }
0x2f: {  	lr =	sadd.s32 s0, s3;
	s0 =	sld [smem:$0x3FAE]  }
0x30: {  	s3 =	sld [smem:$0x3FB1]  }
0x31: {  	[smem:$0x3FBA] =	sst s10  }
0x32: {  	s10 =	sld [smem:$0x3FB8];
	_ =	sdelay $0x3  }
0x33: {  	p0 =	seq.s32 s10, $0x1;
	s10 =	sld [smem:$0x3FBA];
	_ =	sdelay $0x3  }
0x34: {  	[smem:$0x3FBA] =	sst s10  }
0x35: {  	s10 =	sld [smem:$0x3FB9];
	_ =	sdelay $0x3  }
0x36: {  	p1 =	seq.s32 s10, $0x1;
	s10 =	sld [smem:$0x3FBA];
	_ =	sdelay $0x3  }
0x37: {  	[smem:$0x3FBA] =	sst s10  }
0x38: {  	s10 =	sld [smem:$0x3FBB]  }
0x39: {  	_ = 	snop;
	(pc) =	sbr.ind lr, $3  }
0x3a: {  	_ = 	snop  }
0x3b: {  	_ = 	snop  }
0x3c: {  	p2 =	seq.s32 s10, $0x1;
	s10 =	sld [smem:$0x3FBA]  }
0x3d: {  	_ =	shalt  }
0x3e: {  	_ =	shalt  }
0x3f: {  	_ =	shalt  }
0x40: {  	_ =	shalt  }
0x41: {  	_ =	shalt  }
0x42: {  	_ =	shalt  }
0x43: {  	_ =	shalt  }
0x44: {  	_ =	shalt  }
0x45: {  	_ =	shalt  }
0x46: {  	_ =	shalt  }
0x47: {  	_ =	shalt  }
0x48: {  	_ =	shalt  }
0x49: {  	_ =	shalt  }
0x4a: {  	_ =	shalt  }
0x4b: {  	_ =	shalt  }
0x4c: {  	_ =	shalt  }
0x4d: {  	_ =	shalt  }
0x4e: {  	_ =	shalt  }
0x4f: {  	_ =	shalt  }
0x50: {  	_ =	shalt  }
0x51: {  	_ =	shalt  }
0x52: {  	_ =	shalt  }
0x53: {  	_ =	shalt  }
0x54: {  	_ =	shalt  }
0x55: {  	_ =	shalt  }
0x56: {  	_ =	shalt  }
0x57: {  	_ =	shalt  }
0x58: {  	_ =	shalt  }
0x59: {  	_ =	shalt  }
0x5a: {  	_ =	shalt  }
0x5b: {  	_ =	shalt  }
0x5c: {  	_ =	shalt  }
0x5d: {  	_ =	shalt  }
0x5e: {  	_ =	shalt  }
0x5f: {  	_ =	shalt  }
0x60: {  	_ =	shalt  }
0x61: {  	_ =	shalt  }
0x62: {  	_ =	shalt  }
0x63: {  	_ =	shalt  }
0x64: {  	_ =	shalt  }
0x65: {  	_ =	shalt  }
0x66: {  	_ =	shalt  }
0x67: {  	_ =	shalt  }
0x68: {  	_ =	shalt  }
0x69: {  	_ =	shalt  }
0x6a: {  	_ =	shalt  }
0x6b: {  	_ =	shalt  }
0x6c: {  	_ =	shalt  }
0x6d: {  	_ =	shalt  }
0x6e: {  	_ =	shalt  }
0x6f: {  	_ =	shalt  }
0x70: {  	_ =	shalt  }
0x71: {  	_ =	shalt  }
0x72: {  	_ =	shalt  }
0x73: {  	_ =	shalt  }
0x74: {  	_ =	shalt  }
0x75: {  	_ =	shalt  }
0x76: {  	_ =	shalt  }
0x77: {  	_ =	shalt  }
0x78: {  	_ =	shalt  }
0x79: {  	_ =	shalt  }
0x7a: {  	_ =	shalt  }
0x7b: {  	_ =	shalt  }
0x7c: {  	_ =	shalt  }
0x7d: {  	_ =	shalt  }
0x7e: {  	_ =	shalt  }
0x7f: {  	_ =	shalt  }
0x80: {  	_ =	shalt  }
0x81: {  	_ =	shalt  }
0x82: {  	_ =	shalt  }
0x83: {  	_ =	shalt  }
0x84: {  	_ =	shalt  }
0x85: {  	_ =	shalt  }
0x86: {  	_ =	shalt  }
0x87: {  	_ =	shalt  }
.Lfunc_end0:
.L_simem_size_0:
called_computation.1_lowered:
.L_overlay_start_0:
0x88: {  	s2 =	sld [smem:$0x3FD9]  }
0x89: {  	s3 =	sld [smem:$0x3FFE];
	_ =	sdelay $0x1  }
0x8a: {  	s1 =	srdreg.scid  }
0x8b: {  	s0 =	sand.u32 $0x1, s1  }
0x8c: {  	s17 =	sshll.u32 s0, $0xA;
	s2 =	sadd.s32 s3, s2  }
0x8d: {  	s2 =	sadd.s32 s2, s17  }
0x8e: {  	[smem:$0x3FC6] =	sst s2  }
0x8f: {  	_ = 	snop  }
0x90: {  	s2 =	sld [smem:$0x3FC9]  }
0x91: {  	s18 =	sld [smem:$0x3FD0];
	(tm) =	ssettm $0x1  }
0x92: {  	s4 =	sld [smem:$0x3FFB];
	_ =	sdelay $0x3  }
0x93: {  	_ =	strace s4  }
0x94: {  	s4 =	sld [smem:$0x3FFC];
	_ =	sdelay $0x3  }
0x95: {  	_ =	strace s4  }
0x96: {  	s4 =	sld [smem:$0x3FFD];
	_ =	sdelay $0x3  }
0x97: {  	_ =	strace s4  }
0x98: {  	_ =	strace $0x8FFFFFFF  }
0x99: {  	s19 =	sld [smem:$0x3FDB];
	_ =	sdelay $0x1  }
0x9a: {  	s5 =	simm.s32 $_scs_section_size  }
0x9b: {  	s6 =	simm.s32 $_size__tile_overlayer_lowered;
	s7 =	simm.s32 $_tile_overlayer_lowered  }
0x9c: {  	s22 =	simm.s32 $0x1BFF;
	s21 =	sshll.u32 s7, $0x1;
	s4 =	sadd.s32 s5, s19  }
0x9d: {  	s8 =	simm.s32 $0x0;
	s20 =	sshll.u32 s6, $0x1;
	s6 =	sadd.s32 s21, s4  }
0x9e: {  	[timem:s8], [sflag:s22] =	dma.local [hbm:s6], s20  }
0x9f: {  	_ =	swait.ge [sflag:s22], s20  }
0xa0: {  	s5 =	ssub.s32 $0x0, s20;
	[sflag:s22] =	ssyncset.done $0x0  }
0xa1: {  	[sflag:s22] =	ssyncadd.s32 s5;
	_ =	sdelay $0x1  }
0xa2: {  	s23 =	simm.s32 $0x1B8B  }
0xa3: {  	_ =	swait.ge [sflag:s23], $0x1  }
0xa4: {  	[sflag:s23] =	ssyncset.done $0x0  }
0xa5: {  	s25 =	simm.s32 $0x1B8E;
	s24 =	sld [smem:$0x3FFE];
	[sflag:s23] =	ssyncadd.s32 $0xFFFFFFFF  }
0xa6: {  	s26 =	simm.s32 $execute0_lowered;
	[smem:$0x3FD2] =	sst s25  }
0xa7: {  	s6 =	sshll.u32 s26, $0x1;
	_ =	strace $0x80000046;
	[dreg:$0x1] =	wrdreg $0xFFFFFFFF  }
0xa8: {  	s28 =	simm.s32 $_size_execute0_lowered;
	s4 =	sadd.s32 s4, s6;
	[dreg:$0x0] =	wrdreg $0x0  }
0xa9: {  	s6 =	sshll.u32 s28, $0x1;
	[dreg:$0x2] =	wrdreg s4  }
0xaa: {  	[dreg:$0x3] =	wrdreg s6  }
0xab: {  	[dreg:$0x4] =	wrdreg $0xC0  }
0xac: {  	_ =	task [dreg:s8], $0x5FFFF  }
0xad: {  	[dreg:$0x1] =	wrdreg $0xFFFFFFFF  }
0xae: {  	[dreg:$0x0] =	wrdreg $0x60  }
0xaf: {  	[dreg:$0x2] =	wrdreg s2  }
0xb0: {  	[dreg:$0x3] =	wrdreg s24  }
0xb1: {  	[dreg:$0x4] =	wrdreg s18  }
0xb2: {  	[dreg:$0x5] =	wrdreg $0x9  }
0xb3: {  	_ =	task.clear_ibuf [dreg:s8], $0x6FFFF;
	_ =	strace $0x90000046  }
0xb4: {  	s29 =	simm.s32 $0x9;
	_ =	strace $0x80000048  }
0xb5: {  	_ =	swait.ge [sflag:s29], $0x1  }
0xb6: {  	[sflag:s29] =	ssyncadd.s32 $0xFFFFFFFF  }
0xb7: {  	_ =	strace $0x90000048  }
0xb8: {  	_ =	sfence  }
0xb9: {  	s30 =	sld [smem:$0x0];
	_ =	sdelay $0x2  }
0xba: {  	s31 =	sshll.u32 s1, $0xD;
	s1 =	sshrl.u32 s1, $0x2  }
0xbb: {  	s3 =	sand.u32 $0x4000, s31;
	s1 =	sadd.s32 s1, s30  }
0xbc: {  	s0 =	sor.u32 s3, s0;
	s1 =	sshll.u32 s1, $0x11  }
0xbd: {  	s0 =	sor.u32 s1, s0  }
0xbe: {  	s0 =	sadd.s32 $0x8F2B, s0  }
0xbf: {  	[sflag:s0] =	ssyncadd.remote.s32 $0x1  }
0xc0: {  	_ =	sfence.sel $0xFFFF  }
0xc1: {  	[dreg:$0x0] =	wrdreg $0xFFFFFFFF;
	(pc) =	sbr.abs _section_cstart, $3  }
0xc2: {  	[dreg:$0x1] =	wrdreg $0xFFFFFFFF  }
0xc3: {  	_ =	task.clear_ibuf [dreg:s8], $0x2FFFF;
	_ =	strace $0x9FFFFFFF  }
0xc4: {  	(tm) =	ssettm $0x7FFFFFFF  }
0xc5: {  	_ =	shalt  }
tec
execute0_lowered:
.L_overlay_start_1:
0x0: {  	(tag) =	ssettag $0x1  }
0x1: {  	s1 =	rddreg [dreg:$0x0]  }
0x2: {  	s5 =	rddreg [dreg:$0x1];
	s2 =	srdreg.scid  }
0x3: {  	s0 =	stileid.u32;
	s8 =	rddreg [dreg:$0x2];
	s3 =	simm.s32 $0x0  }
0x4: {  	s13 =	simm.s32 $0x80;
	s14 =	simm.s32 $0x5580;
	s15 =	simm.s32 $0x500  }
0x5: {  	s16 =	simm.s32 $0xB580;
	s17 =	simm.s32 $0x580;
	s18 =	simm.s32 $0x11580  }
0x6: {  	s19 =	simm.s32 $0x1;
	s20 =	simm.s32 $0x4;
	s21 =	simm.s32 $0x2  }
0x7: {  	s22 =	simm.s32 $0x5;
	s23 =	simm.s32 $0x3;
	s24 =	simm.s32 $0x6  }
0x8: {  	s25 =	simm.s32 $0x0;
	s6 =	sand.u32 $0x1, s2;
	s2 =	rddreg [dreg:$0x3]  }
0x9: {  	s4 =	sshll.u32 s0, $0x1;
	[smem:$0x7FF] =	sst s3;
	s11 =	smul.u32 $0xF3000, s0  }
0xa: {  	s5 =	sadd.s32 $0x800, s5;
	s7 =	sor.u32 s6, s4;
	s12 =	smul.u32 $0x79800, s6  }
0xb: {  	v0 =	vlaneseq.u32;
	_ =	strace $0x80000047;
	s9 =	ssub.s32 $0x2, s6;
	s4 =	smul.u32 $0x12, s7  }
0xc: {  	v1 =	vand.u32 $0x3, v0;
	s7 =	smul.u32 $0x79800, s7;
	s10 =	sshrl.u32 s9, $0x1;
	s11 =	sadd.s32 s11, s8  }
0xd: {  	v0 =	vmul.u32 $0x2, v0;
	v1 =	vmul.u32 $0x2, v1;
	s9 =	ssub.s32 s9, s10;
	s10 =	sadd.s32 s12, s11;
	s11 =	simm.s32 $0x7  }
0xe: {  	s12 =	simm.s32 $0x480;
	s31 =	sadd.s32 s8, s7;
	s6 =	smax.u32 s9, $0x1  }
0xf: {  	v2 =	vor.u32 $0x1, v0;
	v1 =	vor.u32 $0xFFFFFFF8, v1;
	s7 =	sadd.s32 $0x77400, s31;
	s8 =	sadd.s32 $0x78000, s31;
	s9 =	sadd.s32 $0x78C00, s31  }
.LBB2_1:
0x10: {  	[tilespmem:s3], [sflag:$0x7] =	stream.linear.gather [hbm4b:s1+s3], $0x480, $0x38;
	[tilespmem:$0x17580] =	vst v63  }
0x11: {  	_ =	swait.ge [sflag:s11], $0x480  }
0x12: {  	[sflag:s11] =	ssyncset.done $0x0  }
0x13: {  	s26 =	simm.s32 $0x0;
	s28 =	simm.s32 $0x0;
	[sflag:s11] =	ssyncadd.s32 $0xFFFFFB80  }
.LBB2_2:
0x14: {  	s29 =	sadd.s32 s4, s28  }
0x15: {  	s30 =	simm.s32 $0x0;
	s29 =	sshll.u32 s29, $0x1  }
0x16: {  	v4 =	vmov s30;
	v3 =	vmov s29  }
0x17: {  	v4 =	vshll.u32 v4, $0x1;
	v5 =	vor.u32 $0x1, v3  }
0x18: {  	v6 =	vor.u32 v0, v4  }
0x19: {  	v7 =	vor.u32 $0x1, v6;
	_ =	sdelay $0x1  }
0x1a: {  	v4 =	vld.idx.msk [tilespmem:v3+s30+$0x0], $0xffff  }
0x1b: {  	v3 =	vld.idx.msk [tilespmem:v5+s30+$0x0], $0xffff  }
0x1c: {  	v5 =	vld.idx.msk [tilespmem:v6+s3+$0x0], $0xffff  }
0x1d: {  	v6 =	vld.idx.msk [tilespmem:v7+s3+$0x0], $0xffff;
	_ =	sdelay $0x2  }
0x1e: {  	v10 =	vor.u32 s26, v0;
	s29 =	simm.s32 $0x10  }
0x1f: {  	v7 =	vmov s29;
	v8 =	vsub.s32 v4, v5;
	v5 =	vor.u32 s26, v2  }
0x20: {  	s30 =	simm.s32 $0x20;
	s29 =	smov.u32 s26;
	vm0 =	vgt.s32 v8, $0xFFFFFFE8;
	v9 =	vsub.s32 v3, v6;
	v6 =	vand.u32 v1, v10  }
.LBB2_3:
0x21: {  	p0 =	sne.s32 s30, $0x230;
	v7 =	vshll.u32 v7, $0x1;
	v8 =	vnsel vm0, $0xFFFFFFE8, v8;
	vm0 =	vgt.s32 v9, $0xFFFFFFE8  }
0x22: {  	v7 =	vor.u32 v0, v7;
	vm1 =	vlt.s32 v8, $0x18;
	v9 =	vnsel vm0, $0xFFFFFFE8, v9  }
0x23: {  	v10 =	vor.u32 $0x1, v7;
	v8 =	vnsel vm1, $0x18, v8;
	vm0 =	vlt.s32 v9, $0x18  }
0x24: {  	v8 =	vadd.s32 $0x18, v8;
	v9 =	vnsel vm0, $0x18, v9  }
0x25: {  	v9 =	vadd.s32 $0x18, v9;
	[tilespmem:v6+s12+$0x0] =	vst.idx.msk $0xffff, v8  }
0x26: {  	[tilespmem:v5+s12+$0x0] =	vst.idx.msk $0xffff, v9  }
0x27: {  	v5 =	vld.idx.msk [tilespmem:v7+s3+$0x0], $0xffff  }
0x28: {  	v6 =	vld.idx.msk [tilespmem:v10+s3+$0x0], $0xffff;
	_ =	sdelay $0x1  }
.Ltmp0:
0x29: {  	(pc) =	sbr.rel @p0 .LBB2_3-.Ltmp0, $4  }
0x2a: {  	_ = 	snop  }
0x2b: {  	s29 =	sadd.s32 $0x20, s29;
	v7 =	vmov s30  }
0x2c: {  	v10 =	vor.u32 s29, v0;
	v8 =	vsub.s32 v4, v5;
	v5 =	vor.u32 s29, v2  }
0x2d: {  	s30 =	sadd.s32 $0x10, s30;
	vm0 =	vgt.s32 v8, $0xFFFFFFE8;
	v9 =	vsub.s32 v3, v6;
	v6 =	vand.u32 v1, v10  }
0x2e: {  	v7 =	vshll.u32 v7, $0x1;
	v8 =	vnsel vm0, $0xFFFFFFE8, v8;
	vm12 =	vgt.s32 v9, $0xFFFFFFE8  }
0x2f: {  	v7 =	vor.u32 v0, v7;
	vm1 =	vlt.s32 v8, $0x18;
	v9 =	vnsel vm12, $0xFFFFFFE8, v9  }
0x30: {  	v10 =	vor.u32 $0x1, v7;
	v8 =	vnsel vm1, $0x18, v8;
	vm0 =	vlt.s32 v9, $0x18  }
0x31: {  	v8 =	vadd.s32 $0x18, v8;
	v9 =	vnsel vm0, $0x18, v9  }
0x32: {  	v9 =	vadd.s32 $0x18, v9;
	[tilespmem:v6+s12+$0x0] =	vst.idx.msk $0xffff, v8  }
0x33: {  	[tilespmem:v5+s12+$0x0] =	vst.idx.msk $0xffff, v9  }
0x34: {  	v5 =	vld.idx.msk [tilespmem:v7+s3+$0x0], $0xffff  }
0x35: {  	v6 =	vld.idx.msk [tilespmem:v10+s3+$0x0], $0xffff;
	_ =	sdelay $0x2  }
0x36: {  	s29 =	sadd.s32 $0x20, s29  }
0x37: {  	v62 =	vor.u32 s29, v0;
	v4 =	vsub.s32 v4, v5  }
0x38: {  	s28 =	sadd.s32 $0x1, s28;
	v5 =	vand.u32 v1, v62;
	vm13 =	vgt.s32 v4, $0xFFFFFFE8;
	v3 =	vsub.s32 v3, v6  }
0x39: {  	v63 =	vor.u32 s29, v2;
	p0 =	sne.s32 s28, $0x12;
	v4 =	vnsel vm13, $0xFFFFFFE8, v4;
	vm14 =	vgt.s32 v3, $0xFFFFFFE8  }
.Ltmp1:
0x3a: {  	vm15 =	vlt.s32 v4, $0x18;
	v3 =	vnsel vm14, $0xFFFFFFE8, v3;
	(pc) =	sbr.rel @p0 .LBB2_2-.Ltmp1, $4  }
0x3b: {  	v4 =	vnsel vm15, $0x18, v4;
	vm0 =	vlt.s32 v3, $0x18  }
0x3c: {  	v4 =	vadd.s32 $0x18, v4;
	v3 =	vnsel vm0, $0x18, v3  }
0x3d: {  	v3 =	vadd.s32 $0x18, v3;
	[tilespmem:v5+s12+$0x0] =	vst.idx.msk $0xffff, v4  }
0x3e: {  	s26 =	sadd.s32 $0x480, s26;
	[tilespmem:v63+s12+$0x0] =	vst.idx.msk $0xffff, v3  }
0x3f: {  	[tilespmem:s14], [sflag:$0x1] =	stream.indirect.gather [hbm4b:s5+s13], $0xC0, s12, s13, $0xb8;
	[tilespmem:$0x17580] =	vst v63  }
0x40: {  	_ = 	snop  }
0x41: {  	[tilespmem:s16], [sflag:$0x2] =	stream.indirect.gather [hbm4b:s5+s13], $0xC0, s15, s13, $0xb8;
	[tilespmem:$0x17580] =	vst v63  }
0x42: {  	_ = 	snop  }
0x43: {  	[tilespmem:s18], [sflag:$0x3] =	stream.indirect.gather [hbm4b:s5+s13], $0xC0, s17, s13, $0xb8;
	[tilespmem:$0x17580] =	vst v63  }
0x44: {  	_ =	swait.ge [sflag:s19], $0x6000  }
0x45: {  	[sflag:s19] =	ssyncset.done $0x0  }
0x46: {  	s26 =	sadd.s32 $0x0, s10;
	[sflag:s19] =	ssyncadd.s32 $0xFFFFA000  }
0x47: {  	[hbm4b:s26+s3] =	stream.linear.scatter [tilespmem:s14], [sflag:$0x4], $0x6000, $0x38;
	[tilespmem:$0x17580] =	vst v63  }
0x48: {  	_ =	swait.ge [sflag:s20], $0x6000  }
0x49: {  	[sflag:s20] =	ssyncset.done $0x0  }
0x4a: {  	s28 =	simm.s32 $0x600;
	[sflag:s20] =	ssyncadd.s32 $0xFFFFA000  }
0x4b: {  	[tilespmem:s14], [sflag:$0x1] =	stream.indirect.gather [hbm4b:s5+s13], $0xC0, s28, s13, $0xb8;
	[tilespmem:$0x17580] =	vst v63  }
0x4c: {  	_ =	swait.ge [sflag:s21], $0x6000  }
0x4d: {  	[sflag:s21] =	ssyncset.done $0x0  }
0x4e: {  	s28 =	sadd.s32 $0xC00, s26;
	[sflag:s21] =	ssyncadd.s32 $0xFFFFA000  }
0x4f: {  	[hbm4b:s28+s3] =	stream.linear.scatter [tilespmem:s16], [sflag:$0x5], $0x6000, $0x38;
	[tilespmem:$0x17580] =	vst v63  }
0x50: {  	_ =	swait.ge [sflag:s22], $0x6000  }
0x51: {  	[sflag:s22] =	ssyncset.done $0x0  }
0x52: {  	s28 =	simm.s32 $0x680;
	[sflag:s22] =	ssyncadd.s32 $0xFFFFA000  }
0x53: {  	[tilespmem:s16], [sflag:$0x2] =	stream.indirect.gather [hbm4b:s5+s13], $0xC0, s28, s13, $0xb8;
	[tilespmem:$0x17580] =	vst v63  }
0x54: {  	_ =	swait.ge [sflag:s23], $0x6000  }
0x55: {  	[sflag:s23] =	ssyncset.done $0x0  }
0x56: {  	s26 =	sadd.s32 $0x1800, s26;
	[sflag:s23] =	ssyncadd.s32 $0xFFFFA000  }
0x57: {  	[hbm4b:s26+s3] =	stream.linear.scatter [tilespmem:s18], [sflag:$0x6], $0x6000, $0x38;
	[tilespmem:$0x17580] =	vst v63  }
0x58: {  	_ =	swait.ge [sflag:s24], $0x6000  }
0x59: {  	s29 =	simm.s32 $0x880;
	[sflag:s24] =	ssyncset.done $0x0  }
0x5a: {  	s28 =	simm.s32 $0x2400;
	s26 =	simm.s32 $0x700;
	[sflag:s24] =	ssyncadd.s32 $0xFFFFA000  }
.LBB2_6:
0x5b: {  	[tilespmem:s18], [sflag:$0x3] =	stream.indirect.gather [hbm4b:s5+s13], $0xC0, s26, s13, $0xb8;
	[tilespmem:$0x17580] =	vst v63  }
0x5c: {  	s30 =	smov.u32 s28;
	s26 =	smov.u32 s29  }
0x5d: {  	p0 =	sne.s32 s28, $0x75000;
	s28 =	sadd.s32 $0x2400, s28;
	_ =	swait.ge [sflag:s19], $0x6000  }
0x5e: {  	[sflag:s19] =	ssyncset.done $0x0  }
0x5f: {  	s30 =	sadd.s32 s30, s10;
	[sflag:s19] =	ssyncadd.s32 $0xFFFFA000  }
0x60: {  	[hbm4b:s30+s3] =	stream.linear.scatter [tilespmem:s14], [sflag:$0x4], $0x6000, $0x38;
	[tilespmem:$0x17580] =	vst v63  }
0x61: {  	_ =	swait.ge [sflag:s20], $0x6000  }
0x62: {  	[sflag:s20] =	ssyncset.done $0x0  }
0x63: {  	s31 =	sadd.s32 $0xFFFFFF00, s29;
	[sflag:s20] =	ssyncadd.s32 $0xFFFFA000  }
0x64: {  	[tilespmem:s14], [sflag:$0x1] =	stream.indirect.gather [hbm4b:s5+s13], $0xC0, s31, s13, $0xb8;
	[tilespmem:$0x17580] =	vst v63  }
0x65: {  	_ =	swait.ge [sflag:s21], $0x6000  }
0x66: {  	[sflag:s21] =	ssyncset.done $0x0  }
0x67: {  	s31 =	sadd.s32 $0xC00, s30;
	[sflag:s21] =	ssyncadd.s32 $0xFFFFA000  }
0x68: {  	[hbm4b:s31+s3] =	stream.linear.scatter [tilespmem:s16], [sflag:$0x5], $0x6000, $0x38;
	[tilespmem:$0x17580] =	vst v63  }
0x69: {  	_ =	swait.ge [sflag:s22], $0x6000  }
0x6a: {  	[sflag:s22] =	ssyncset.done $0x0  }
0x6b: {  	s31 =	sadd.s32 $0xFFFFFF80, s29;
	[sflag:s22] =	ssyncadd.s32 $0xFFFFA000  }
0x6c: {  	[tilespmem:s16], [sflag:$0x2] =	stream.indirect.gather [hbm4b:s5+s13], $0xC0, s31, s13, $0xb8;
	[tilespmem:$0x17580] =	vst v63  }
0x6d: {  	_ =	swait.ge [sflag:s23], $0x6000  }
0x6e: {  	[sflag:s23] =	ssyncset.done $0x0  }
.Ltmp2:
0x6f: {  	s30 =	sadd.s32 $0x1800, s30;
	[sflag:s23] =	ssyncadd.s32 $0xFFFFA000;
	(pc) =	sbr.rel @p0 .LBB2_6-.Ltmp2, $4  }
0x70: {  	[hbm4b:s30+s3] =	stream.linear.scatter [tilespmem:s18], [sflag:$0x6], $0x6000, $0x38;
	[tilespmem:$0x17580] =	vst v63  }
0x71: {  	_ =	swait.ge [sflag:s24], $0x6000  }
0x72: {  	[sflag:s24] =	ssyncset.done $0x0  }
0x73: {  	s29 =	sadd.s32 $0x180, s29;
	[sflag:s24] =	ssyncadd.s32 $0xFFFFA000  }
0x74: {  	[tilespmem:s18], [sflag:$0x3] =	stream.indirect.gather [hbm4b:s5+s13], $0xC0, s26, s13, $0xb8;
	[tilespmem:$0x17580] =	vst v63  }
0x75: {  	_ =	swait.ge [sflag:s19], $0x6000  }
0x76: {  	[sflag:s19] =	ssyncset.done $0x0  }
0x77: {  	[sflag:s19] =	ssyncadd.s32 $0xFFFFA000  }
0x78: {  	[hbm4b:s7+s3] =	stream.linear.scatter [tilespmem:s14], [sflag:$0x4], $0x6000, $0x38;
	[tilespmem:$0x17580] =	vst v63  }
0x79: {  	_ =	swait.ge [sflag:s21], $0x6000  }
0x7a: {  	[sflag:s21] =	ssyncset.done $0x0  }
0x7b: {  	[sflag:s21] =	ssyncadd.s32 $0xFFFFA000  }
0x7c: {  	[hbm4b:s8+s3] =	stream.linear.scatter [tilespmem:s16], [sflag:$0x5], $0x6000, $0x38;
	[tilespmem:$0x17580] =	vst v63  }
0x7d: {  	_ =	swait.ge [sflag:s23], $0x6000  }
0x7e: {  	[sflag:s23] =	ssyncset.done $0x0  }
0x7f: {  	[sflag:s23] =	ssyncadd.s32 $0xFFFFA000  }
0x80: {  	[hbm4b:s9+s3] =	stream.linear.scatter [tilespmem:s18], [sflag:$0x6], $0x6000, $0x38;
	[tilespmem:$0x17580] =	vst v63  }
0x81: {  	_ =	swait.ge [sflag:s20], $0x6000  }
0x82: {  	[sflag:s20] =	ssyncset.done $0x0  }
0x83: {  	s25 =	sadd.s32 $0x1, s25;
	[sflag:s20] =	ssyncadd.s32 $0xFFFFA000  }
0x84: {  	p0 =	sne.s32 s25, s6;
	_ =	swait.ge [sflag:s22], $0x6000  }
.Ltmp3:
0x85: {  	[sflag:s22] =	ssyncset.done $0x0;
	(pc) =	sbr.rel @p0 .LBB2_1-.Ltmp3, $4  }
0x86: {  	[sflag:s22] =	ssyncadd.s32 $0xFFFFA000  }
0x87: {  	_ =	swait.ge [sflag:s24], $0x6000  }
0x88: {  	[sflag:s24] =	ssyncset.done $0x0  }
0x89: {  	[sflag:s24] =	ssyncadd.s32 $0xFFFFA000  }
0x8a: {  	_ =	sfence.sel $0x180000  }
0x8b: {  	[bflag:$0x0] =	sbarrier.arrive $0xFFFF  }
0x8c: {  	p0 =	sne.s32 s0, $0x0;
	_ =	strace $0x90000047  }
0x8d: {  	s0 =	sadd.s32 @!p0 $0x100000, s2;
	[bflag:$0x2] =	sbarrier.arrive $0xFFFF  }
0x8e: {  	[sflag:s0] =	ssyncadd.tile.s32 @!p0 $0x1;
	_ =	shalt  }
.Lfunc_end2:
_tile_overlayer_lowered:
.L_overlay_start_2:
0x8f: {  	(tag) =	ssettag $0x2  }
0x90: {  	s0 =	rddreg [dreg:$0x0];
	s2 =	stileid.u32  }
0x91: {  	s1 =	rddreg [dreg:$0x1];
	p0 =	sne.s32 s2, $0x0  }
0x92: {  	s3 =	rddreg [dreg:$0x2];
	[bflag:$0x3] =	sbarrier.arrive $0xFFFF;
	s2 =	simm.s32 @!p0 $0x1C07  }
0x93: {  	[timem:s3], [sflag:s2] =	dma.local @!p0 [hbm:s0], s1  }
0x94: {  	s0 =	simm.s32 @!p0 $0x7  }
0x95: {  	_ =	swait.ge @!p0 [sflag:s0], s1  }
0x96: {  	s1 =	ssub.s32 @!p0 $0x0, s1;
	[sflag:s0] =	ssyncset.done @!p0 $0x0  }
0x97: {  	[sflag:s0] =	ssyncadd.s32 @!p0 s1  }
0x98: {  	[bflag:$0x3] =	sbarrier.arrive $0xFFFF  }
0x99: {  	_ =	shalt  }

// kernel: sparse-core-data-format-call.cloned.1.call-start
scs
called_computation_lowered:
.L_overlay_start_0:
0x0: {  	s2 =	sld [smem:$0x3FD9]  }
0x1: {  	s3 =	sld [smem:$0x3FFE];
	_ =	sdelay $0x1  }
0x2: {  	s1 =	srdreg.scid  }
0x3: {  	s0 =	sand.u32 $0x1, s1  }
0x4: {  	s18 =	sshll.u32 s0, $0xA;
	s2 =	sadd.s32 s3, s2  }
0x5: {  	s2 =	sadd.s32 s2, s18  }
0x6: {  	[smem:$0x3FC6] =	sst s2  }
0x7: {  	_ = 	snop  }
0x8: {  	s2 =	sld [smem:$0x3FD0];
	(tm) =	ssettm $0x1  }
0x9: {  	s19 =	sld [smem:$0x3FFB];
	_ =	sdelay $0x3  }
0xa: {  	_ =	strace s19  }
0xb: {  	s3 =	sld [smem:$0x3FFC];
	_ =	sdelay $0x3  }
0xc: {  	_ =	strace s3  }
0xd: {  	s3 =	sld [smem:$0x3FFD];
	_ =	sdelay $0x3  }
0xe: {  	_ =	strace s3  }
0xf: {  	_ =	strace $0x8FFFFFFF  }
0x10: {  	s20 =	sld [smem:$0x3FDB];
	_ =	sdelay $0x1  }
0x11: {  	s4 =	simm.s32 $_scs_section_size  }
0x12: {  	s5 =	simm.s32 $_size__tile_overlayer_lowered;
	s6 =	simm.s32 $_tile_overlayer_lowered  }
0x13: {  	s23 =	simm.s32 $0x1BFF;
	s22 =	sshll.u32 s6, $0x1;
	s3 =	sadd.s32 s4, s20  }
0x14: {  	s7 =	simm.s32 $0x0;
	s21 =	sshll.u32 s5, $0x1;
	s5 =	sadd.s32 s22, s3  }
0x15: {  	[timem:s7], [sflag:s23] =	dma.local [hbm:s5], s21  }
0x16: {  	_ =	swait.ge [sflag:s23], s21  }
0x17: {  	s4 =	ssub.s32 $0x0, s21;
	[sflag:s23] =	ssyncset.done $0x0  }
0x18: {  	[sflag:s23] =	ssyncadd.s32 s4;
	_ =	sdelay $0x1  }
0x19: {  	s24 =	simm.s32 $0x1B8B  }
0x1a: {  	_ =	swait.ge [sflag:s24], $0x1  }
0x1b: {  	[sflag:s24] =	ssyncset.done $0x0  }
0x1c: {  	s26 =	simm.s32 $0x1B8E;
	s25 =	sld [smem:$0x3FFE];
	[sflag:s24] =	ssyncadd.s32 $0xFFFFFFFF  }
0x1d: {  	s27 =	simm.s32 $execute0_lowered;
	[smem:$0x3FD2] =	sst s26  }
0x1e: {  	s5 =	sshll.u32 s27, $0x1;
	_ =	strace $0x80000049;
	[dreg:$0x1] =	wrdreg $0xFFFFFFFF  }
0x1f: {  	s28 =	simm.s32 $_size_execute0_lowered;
	s3 =	sadd.s32 s3, s5;
	[dreg:$0x0] =	wrdreg $0x0  }
0x20: {  	s5 =	sshll.u32 s28, $0x1;
	[dreg:$0x2] =	wrdreg s3  }
0x21: {  	[dreg:$0x3] =	wrdreg s5  }
0x22: {  	[dreg:$0x4] =	wrdreg $0xC0  }
0x23: {  	_ =	task [dreg:s7], $0x5FFFF  }
0x24: {  	[dreg:$0x1] =	wrdreg $0xFFFFFFFF  }
0x25: {  	[dreg:$0x0] =	wrdreg $0x60  }
0x26: {  	[dreg:$0x2] =	wrdreg s25  }
0x27: {  	[dreg:$0x3] =	wrdreg s2  }
0x28: {  	[dreg:$0x4] =	wrdreg $0x9  }
0x29: {  	_ =	task.clear_ibuf [dreg:s7], $0x5FFFF;
	_ =	strace $0x90000049  }
0x2a: {  	s29 =	simm.s32 $0x9;
	_ =	strace $0x8000004B  }
0x2b: {  	_ =	swait.ge [sflag:s29], $0x1  }
0x2c: {  	[sflag:s29] =	ssyncadd.s32 $0xFFFFFFFF  }
0x2d: {  	_ =	strace $0x9000004B  }
0x2e: {  	_ =	sfence  }
0x2f: {  	s30 =	sld [smem:$0x0];
	_ =	sdelay $0x2  }
0x30: {  	s31 =	sshll.u32 s1, $0xD;
	s1 =	sshrl.u32 s1, $0x2  }
0x31: {  	s3 =	sand.u32 $0x4000, s31;
	s1 =	sadd.s32 s1, s30  }
0x32: {  	s0 =	sor.u32 s3, s0;
	s1 =	sshll.u32 s1, $0x11  }
0x33: {  	s0 =	sor.u32 s1, s0  }
0x34: {  	s0 =	sadd.s32 $0x8F2B, s0  }
0x35: {  	[sflag:s0] =	ssyncadd.remote.s32 $0x1  }
0x36: {  	_ =	sfence.sel $0xFFFF  }
0x37: {  	[dreg:$0x0] =	wrdreg $0xFFFFFFFF;
	(pc) =	sbr.abs _section_cstart, $3  }
0x38: {  	[dreg:$0x1] =	wrdreg $0xFFFFFFFF  }
0x39: {  	_ =	task.clear_ibuf [dreg:s7], $0x2FFFF;
	_ =	strace $0x9FFFFFFF  }
0x3a: {  	(tm) =	ssettm $0x7FFFFFFF  }
0x3b: {  	_ =	shalt  }
tec
execute0_lowered:
.L_overlay_start_1:
0x0: {  	(tag) =	ssettag $0x1  }
0x1: {  	s5 =	rddreg [dreg:$0x0]  }
0x2: {  	s0 =	srdreg.scid;
	s3 =	rddreg [dreg:$0x1];
	s7 =	simm.s32 $0x1  }
0x3: {  	s8 =	simm.s32 $0x2;
	s15 =	simm.s32 $0x0;
	s1 =	sshll.u32 s0, $0x4  }
0x4: {  	s14 =	simm.s32 $0x0;
	s0 =	stileid.u32;
	s1 =	sand.u32 $0x10, s1  }
0x5: {  	s9 =	simm.s32 $0x0;
	s10 =	simm.s32 $0x0;
	s1 =	sor.u32 s0, s1  }
0x6: {  	s11 =	simm.s32 $0x0;
	s13 =	simm.s32 $0x0;
	s2 =	sshll.u32 s1, $0x7  }
0x7: {  	s5 =	sadd.s32 $0x800, s5;
	s1 =	rddreg [dreg:$0x2];
	s6 =	ssub.s32 $0xA2000, s2  }
.Ltmp0:
0x8: {  	_ =	strace $0x8000004A;
	s4 =	sand.u32 $0xF80, s6;
	(pc) =	sbr.rel .LBB1_1-.Ltmp0, $4  }
0x9: {  	s12 =	smov.u32 s2;
	p0 =	sne.s32 s4, $0x0;
	s4 =	simm.s32 $0x1  }
0xa: {  	s6 =	sshrl.u32 s6, $0xC;
	s7 =	simm.s32 @!p0 $0x0;
	[sflag:s4] =	ssyncpa.u1 $0x0  }
0xb: {  	p0 =	por $0x0, $0x0;
	s7 =	sadd.s32 s7, s6;
	[sflag:s8] =	ssyncpa.u1 $0x0  }
0xc: {  	s8 =	simm.s32 $0x510000;
	s6 =	sshll.u32 s7, $0x1;
	s7 =	sshllo.u32 s7, $0x1  }
.LBB1_4:
0xd: {  	s21 =	sshrl.u32 s9, $0x3;
	s22 =	sshll.u32 s10, $0x3  }
0xe: {  	s20 =	sshra.s32 s20, $0x2;
	s23 =	sshll.u32 s9, $0x7;
	s24 =	sand.u32 $0x7F, s10  }
0xf: {  	p1 =	sgt.s32 s9, $0x40;
	s28 =	sshra.s32 s9, $0x1F;
	s21 =	smul.u32 $0x510000, s21  }
0x10: {  	s29 =	sshra.s32 s10, $0x1F;
	s22 =	sand.u32 $0xFFFFFC00, s22;
	s25 =	sand.u32 $0x380, s23  }
0x11: {  	s19 =	sadd.s32 s20, s19;
	s26 =	sor.u32 s24, s25;
	s21 =	sadd.s32 s22, s21  }
0x12: {  	v5 =	vld [tilespmem:s17+$0xFFFFFFD0];
	s27 =	smulhi.u32 $0xCA4587E7, s21;
	s20 =	sor.u32 s21, s26;
	s21 =	smov.u32 s9  }
0x13: {  	[tilespmem:s18+$0x2040 ss:$0x81] =	vst.msk $0xffff, v4;
	v58 =	vld [tilespmem:s17+$0xFFFFFFE0];
	s23 =	sand.u32 s28, s9;
	s24 =	sand.u32 s29, s10;
	s21 =	simm.s32 @!p1 $0x40  }
0x14: {  	[tilespmem:s18+$0x2850 ss:$0x81] =	vst.msk $0xffff, v3;
	p1 =	sgt.s32 s10, $0xA1F80;
	s30 =	smulhi.u32 $0xCA4587E7, s20;
	s22 =	sshrl.u32 s27, $0x13  }
0x15: {  	v59 =	vld [tilespmem:s17+$0xFFFFFFF0];
	[tilespmem:s18+$0x3060 ss:$0x81] =	vst.msk $0xffff, v2;
	s21 =	ssub.s32 s21, s23;
	s23 =	smov.u32 s10;
	s25 =	smul.u32 $0xAAB, s22  }
0x16: {  	v60 =	vld [tilespmem:s17+$0x0];
	[tilespmem:s18+$0x0 ss:$0x81] =	vst.msk $0xffff, v0;
	s23 =	simm.s32 @!p1 $0xA1F80;
	s31 =	sadd.s32 $0xFFFFFFC0, s21;
	s18 =	sshrl.u32 s30, $0x13  }
0x17: {  	v61 =	vld [tilespmem:s17+$0x10];
	[tilespmem:s19+$0x3870 ss:$0x81] =	vst.msk $0xffff, v1;
	s23 =	ssub.s32 s23, s24;
	s28 =	smul.u32 $0xA2000, s18;
	s25 =	sshrl.u32 s25, $0x13  }
0x18: {  	v62 =	vld [tilespmem:s17+$0x20];
	[tilespmem:s19+$0x810 ss:$0x81] =	vst.msk $0xffff, v5;
	p1 =	sgt.s32 s31, $0x7F;
	s26 =	sadd.s32 $0xFFF5E080, s23;
	s27 =	smul.u32 $0xC0, s25  }
0x19: {  	v63 =	vld [tilespmem:s17+$0xFFFFFFC0];
	[tilespmem:s19+$0x1020 ss:$0x81] =	vst.msk $0xffff, v58;
	s18 =	ssub.s32 $0xC0, s21;
	s21 =	ssub.s32 $0xA2000, s23;
	p2 =	sgt.s32 s26, $0x7F  }
0x1a: {  	[tilespmem:s19+$0x1830 ss:$0x81] =	vst.msk $0xffff, v59;
	s18 =	simm.s32 @p1 $0x0;
	s21 =	simm.s32 @p2 $0x0;
	s22 =	ssub.s32 s22, s27  }
0x1b: {  	[tilespmem:s19+$0x2040 ss:$0x81] =	vst.msk $0xffff, v60;
	s17 =	ssub.s32 s20, s28;
	s18 =	smul.u32 s21, s18;
	s29 =	sand.u32 $0xFFFF, s22  }
0x1c: {  	[tilespmem:s19+$0x2850 ss:$0x81] =	vst.msk $0xffff, v61;
	s30 =	sshrl.u32 s17, $0x3;
	s17 =	sand.u32 $0x7, s17;
	s20 =	smul.u32 $0x14400, s29  }
0x1d: {  	[tilespmem:s19+$0x3060 ss:$0x81] =	vst.msk $0xffff, v62;
	s21 =	sadd.s32 s3, s30;
	s17 =	sshll.u32 s17, $0x12  }
0x1e: {  	[tilespmem:s19+$0x0 ss:$0x81] =	vst.msk $0xffff, v63;
	s17 =	sor.u32 $0x400, s17;
	s18 =	sand.u32 $0x3FFFFFFF, s18;
	s31 =	sadd.s32 s20, s21  }
0x1f: {  	[hbm4b:s31+s17] =	stream.strided.scatter [tilespmem:s16], [sflag:$0x2], s18, s8, s17, $0x20;
	[tilespmem:$0x10100] =	vst v63  }
.LBB1_5:
0x20: {  	p1 =	slt.u32 s13, $0x2  }
0x21: {  	s17 =	smov.u32 s15;
	p2 =	sgt.s32 @!p1 s15, $0x40;
	s16 =	sshra.s32 @!p1 s15, $0x1F  }
0x22: {  	p3 =	sgt.s32 @!p1 s14, $0xA1F80;
	s18 =	sshra.s32 @!p1 s14, $0x1F;
	p2 =	por !p2, p1  }
0x23: {  	s15 =	sand.u32 @!p1 s16, s15;
	p3 =	por !p3, p1;
	s16 =	smov.u32 s14  }
0x24: {  	s14 =	sand.u32 @!p1 s18, s14;
	s17 =	simm.s32 @p2 $0x40;
	s16 =	simm.s32 @p3 $0xA1F80  }
0x25: {  	s15 =	ssub.s32 @!p1 s17, s15;
	s14 =	ssub.s32 @!p1 s16, s14  }
0x26: {  	s18 =	smov.u32 s12;
	s16 =	sadd.s32 @!p1 $0xFFFFFFC0, s15;
	s17 =	sadd.s32 @!p1 $0xFFF5E080, s14  }
0x27: {  	s15 =	ssub.s32 @!p1 $0xC0, s15;
	p2 =	sgt.s32 @!p1 s16, $0x7F;
	p3 =	sgt.s32 @!p1 s17, $0x7F  }
0x28: {  	s14 =	ssub.s32 @!p1 $0xA2000, s14;
	p2 =	por !p2, p1;
	p3 =	por !p3, p1  }
0x29: {  	s16 =	sadd.s32 $0x80, s11;
	s15 =	simm.s32 @!p2 $0x0;
	s14 =	simm.s32 @!p3 $0x0  }
0x2a: {  	p2 =	sgt.s32 s16, $0xBF;
	s14 =	smul.u32 @!p1 s14, s15;
	s15 =	sadd.s32 $0x1000, s12  }
0x2b: {  	s18 =	smov.u32 @p2 s15  }
0x2c: {  	s16 =	simm.s32 @p2 $0x0;
	p2 =	sgt.s32 s18, $0xA1FFF  }
0x2d: {  	s18 =	smov.u32 @p2 s2;
	p2 =	sne.s32 s13, s7  }
.Ltmp1:
0x2e: {  	p0 =	por !p0, !p0;
	s17 =	simm.s32 @!p1 $0x2;
	(pc) =	sbr.rel @!p2 .LBB1_6-.Ltmp1, $4  }
0x2f: {  	s15 =	smov.u32 s9;
	s9 =	smov.u32 s11;
	s14 =	sand.u32 @!p1 $0x3FFFFFFF, s14  }
0x30: {  	s11 =	smov.u32 s16;
	_ =	swait.ge @!p1 [sflag:s17], s14;
	s19 =	ssub.s32 @!p1 $0x0, s14  }
0x31: {  	s14 =	smov.u32 s10;
	s13 =	sadd.s32 $0x1, s13;
	[sflag:s17] =	ssyncset.done @!p1 $0x0  }
0x32: {  	s10 =	smov.u32 s12;
	s12 =	smov.u32 s18;
	[sflag:s17] =	ssyncadd.s32 @!p1 s19  }
.LBB1_1:
0x33: {  	p1 =	sge.u32 s13, s6  }
0x34: {  	s16 =	sshll.u32 @!p1 s12, $0x8;
	s17 =	sshll.u32 @!p1 s11, $0x3  }
0x35: {  	s18 =	sshll.u32 @!p1 s12, $0x7;
	s16 =	sand.u32 @!p1 $0xFFFFF800, s16;
	s17 =	sand.u32 @!p1 $0xFFFFFC00, s17  }
0x36: {  	s16 =	sadd.s32 @!p1 s16, s17;
	s17 =	sand.u32 @!p1 $0x300, s18  }
0x37: {  	s16 =	sor.u32 @!p1 s17, s16  }
0x38: {  	s16 =	sshrl.u32 @!p1 s16, $0x8  }
0x39: {  	s17 =	smulhi.u32 @!p1 $0x1948B1, s16;
	_ =	sdelay $0x1  }
0x3a: {  	s19 =	sxor.u32 @!p1 $0xFFFFFFFF, s13;
	s20 =	sand.u32 @!p1 $0x78, s11;
	s17 =	sshrl.u32 @!p1 s17, $0x8  }
0x3b: {  	s19 =	sshll.u32 @!p1 s19, $0xE;
	s18 =	sand.u32 @!p1 $0x80, s18;
	s17 =	smul.u32 @!p1 $0xA2000, s17  }
0x3c: {  	s31 =	sadd.s32 $0xFFFFFFFF, s13;
	s19 =	sand.u32 @!p1 $0x4000, s19;
	s18 =	sor.u32 @!p1 s20, s18  }
0x3d: {  	s16 =	ssub.s32 @!p1 s16, s17;
	s17 =	sshrl.u32 @!p1 s18, $0x3;
	s18 =	sand.u32 @!p1 $0x7, s11  }
0x3e: {  	s16 =	sshll.u32 @!p1 s16, $0x5;
	s17 =	sadd.s32 @!p1 s5, s17;
	s18 =	sshll.u32 @!p1 s18, $0x12  }
0x3f: {  	s16 =	sadd.s32 @!p1 s16, s17;
	s17 =	sor.u32 @!p1 $0x400, s18;
	s18 =	simm.s32 @!p1 $0x800  }
0x40: {  	[tilespmem:s19], [sflag:$0x1] =	stream.strided.gather @!p1 [hbm4b:s16+s17], $0x4000, s18, s17, $0x38;
	[tilespmem:$0x10100] =	vst v63  }
0x41: {  	p1 =	sge.u32 s31, s6  }
.Ltmp2:
0x42: {  	_ = 	snop;
	(pc) =	sbr.rel @p1 .LBB1_5-.Ltmp2, $1  }
0x43: {  	_ =	sdelay $0x3  }
0x44: {  	s16 =	simm.s32 $0x1  }
0x45: {  	_ =	swait.ge [sflag:s4], $0x4000;
	s16 =	simm.s32 @!p0 $0x0  }
0x46: {  	[sflag:s4] =	ssyncset.done $0x0;
	s17 =	sshll.u32 s16, $0xE  }
0x47: {  	[sflag:s4] =	ssyncadd.s32 $0xFFFFC000;
	s17 =	sor.u32 $0x40, s17  }
0x48: {  	s16 =	smul.u32 $0x10200, s16;
	v0 =	vld [tilespmem:s17+$0x30]  }
0x49: {  	v1 =	vld [tilespmem:s17+$0xFFFFFFD0]  }
0x4a: {  	s16 =	sshrl.u32 s16, $0x2;
	v5 =	vld [tilespmem:s17+$0xFFFFFFE0]  }
0x4b: {  	v6 =	vld [tilespmem:s17+$0xFFFFFFF0];
	s19 =	sor.u32 $0x8000, s16  }
0x4c: {  	s31 =	sand.u32 $0x1, s13;
	v4 =	vld [tilespmem:s17+$0x0];
	s18 =	sadd.s32 $0x0, s19  }
0x4d: {  	v3 =	vld [tilespmem:s17+$0x10];
	s16 =	smul.u32 $0x10200, s31;
	[tilespmem:s18+$0x3870 ss:$0x81] =	vst.msk $0xffff, v0  }
0x4e: {  	v2 =	vld [tilespmem:s17+$0x20];
	[tilespmem:s18+$0x810 ss:$0x81] =	vst.msk $0xffff, v1  }
0x4f: {  	s16 =	sshrl.u32 s16, $0x2;
	v0 =	vld [tilespmem:s17+$0xFFFFFFC0];
	[tilespmem:s18+$0x1020 ss:$0x81] =	vst.msk $0xffff, v5;
	s17 =	sadd.s32 $0x80, s17  }
0x50: {  	s20 =	simm.s32 $0x4;
	s21 =	simm.s32 $0x8;
	s16 =	sor.u32 $0x8000, s16;
	[tilespmem:s18+$0x1830 ss:$0x81] =	vst.msk $0xffff, v6;
	v1 =	vld [tilespmem:s17+$0x30]  }
.LBB1_3:
0x51: {  	p1 =	sne.s32 s21, $0x1FC;
	v5 =	vld [tilespmem:s17+$0xFFFFFFD0];
	[tilespmem:s18+$0x2040 ss:$0x81] =	vst.msk $0xffff, v4  }
0x52: {  	v6 =	vld [tilespmem:s17+$0xFFFFFFE0];
	[tilespmem:s18+$0x2850 ss:$0x81] =	vst.msk $0xffff, v3  }
0x53: {  	s22 =	sshra.s32 s20, $0x2;
	s20 =	smov.u32 s21;
	v7 =	vld [tilespmem:s17+$0xFFFFFFF0];
	[tilespmem:s18+$0x3060 ss:$0x81] =	vst.msk $0xffff, v2  }
.Ltmp3:
0x54: {  	v4 =	vld [tilespmem:s17+$0x0];
	[tilespmem:s18+$0x0 ss:$0x81] =	vst.msk $0xffff, v0;
	s18 =	sadd.s32 s22, s19;
	(pc) =	sbr.rel @p1 .LBB1_3-.Ltmp3, $4  }
0x55: {  	v3 =	vld [tilespmem:s17+$0x10];
	[tilespmem:s18+$0x3870 ss:$0x81] =	vst.msk $0xffff, v1  }
0x56: {  	[tilespmem:s18+$0x810 ss:$0x81] =	vst.msk $0xffff, v5;
	v2 =	vld [tilespmem:s17+$0x20]  }
0x57: {  	v0 =	vld [tilespmem:s17+$0xFFFFFFC0];
	[tilespmem:s18+$0x1020 ss:$0x81] =	vst.msk $0xffff, v6;
	s17 =	sadd.s32 $0x80, s17  }
0x58: {  	s21 =	sadd.s32 $0x4, s21;
	v1 =	vld [tilespmem:s17+$0x30];
	[tilespmem:s18+$0x1830 ss:$0x81] =	vst.msk $0xffff, v7  }
.Ltmp4:
0x59: {  	_ = 	snop;
	(pc) =	sbr.rel .LBB1_4-.Ltmp4, $1  }
0x5a: {  	_ =	sdelay $0x3  }
.LBB1_6:
0x5b: {  	_ =	sfence.sel $0x180000  }
0x5c: {  	s2 =	simm.s32 $0x1;
	[bflag:$0x0] =	sbarrier.arrive $0xFFFF  }
0x5d: {  	s31 =	simm.s32 $0x2;
	[sflag:s2] =	ssyncpa.u1 $0x1  }
0x5e: {  	[sflag:s31] =	ssyncpa.u1 $0x1  }
0x5f: {  	p0 =	sne.s32 s0, $0x0;
	_ =	strace $0x9000004A  }
0x60: {  	s0 =	sadd.s32 @!p0 $0x100000, s1;
	[bflag:$0x2] =	sbarrier.arrive $0xFFFF  }
0x61: {  	[sflag:s0] =	ssyncadd.tile.s32 @!p0 $0x1;
	_ =	shalt  }
.Lfunc_end1:
_tile_overlayer_lowered:
.L_overlay_start_2:
0x62: {  	(tag) =	ssettag $0x2  }
0x63: {  	s0 =	rddreg [dreg:$0x0];
	s2 =	stileid.u32  }
0x64: {  	s1 =	rddreg [dreg:$0x1];
	p0 =	sne.s32 s2, $0x0  }
0x65: {  	s3 =	rddreg [dreg:$0x2];
	[bflag:$0x3] =	sbarrier.arrive $0xFFFF;
	s2 =	simm.s32 @!p0 $0x1C01  }
0x66: {  	[timem:s3], [sflag:s2] =	dma.local @!p0 [hbm:s0], s1  }
0x67: {  	s0 =	simm.s32 @!p0 $0x1  }
0x68: {  	_ =	swait.ge @!p0 [sflag:s0], s1  }
0x69: {  	s1 =	ssub.s32 @!p0 $0x0, s1;
	[sflag:s0] =	ssyncset.done @!p0 $0x0  }
0x6a: {  	[sflag:s0] =	ssyncadd.s32 @!p0 s1  }
0x6b: {  	[bflag:$0x3] =	sbarrier.arrive $0xFFFF  }
0x6c: {  	_ =	shalt  }

</sc_bundles>
